<compile_context>
chip_gen: v7x
topology: tpu7x:2x2x1
jax: 0.10.2.dev20260603
libtpu: 0.0.44.dev20260713+nightly
codegen_flags: <defaults>
</compile_context>

<pallas_src>
import functools

import jax
import jax.numpy as jnp
from jax.experimental import pallas as pl
from jax.experimental.pallas import tpu as pltpu
from jax.experimental.pallas import tpu_sc as plsc

_G = 1024
_K = 32


def _fps_body(xyzT_ref, idx_ref):
    X = xyzT_ref[0]
    Y = xyzT_ref[1]
    Z = xyzT_ref[2]
    B, N = X.shape
    lane = jax.lax.broadcasted_iota(jnp.int32, (B, N), 1)
    lane_h = jax.lax.broadcasted_iota(jnp.int32, (B, _G), 1)

    sub_h = jax.lax.broadcasted_iota(jnp.int32, (B, _G), 0)
    zero_h = lane_h * 0 + sub_h * 0

    def body(i, carry):
        dist_min, far = carry
        far_b = far + zero_h
        idx_ref[...] = jnp.where(lane_h == i, far_b, idx_ref[...])
        eq = lane == far
        cx = jnp.sum(jnp.where(eq, X, 0.0), axis=1, keepdims=True)
        cy = jnp.sum(jnp.where(eq, Y, 0.0), axis=1, keepdims=True)
        cz = jnp.sum(jnp.where(eq, Z, 0.0), axis=1, keepdims=True)
        d = (X - cx) ** 2 + (Y - cy) ** 2 + (Z - cz) ** 2
        dist_min = jnp.minimum(dist_min, d)
        m = jnp.max(dist_min, axis=1, keepdims=True)
        far_new = jnp.min(jnp.where(dist_min == m, lane, N),
                          axis=1, keepdims=True)
        return dist_min, far_new

    dist0 = jnp.full((B, N), 1e10, jnp.float32)
    far0 = jnp.zeros((B, 1), jnp.int32)
    jax.lax.fori_loop(0, _G, body, (dist0, far0), unroll=4)


def _fps_pallas(xyz):
    B, N, _ = xyz.shape
    xyzT = jnp.transpose(xyz, (2, 0, 1))
    return pl.pallas_call(
        _fps_body,
        out_shape=jax.ShapeDtypeStruct((B, _G), jnp.int32),
    )(xyzT)


_KT = 256


def _knn_body(lc_ref, xyzB_ref, out_ref):
    X = xyzB_ref[0, 0:1, :]
    Y = xyzB_ref[0, 1:2, :]
    Z = xyzB_ref[0, 2:3, :]
    Xc = lc_ref[:, 64:65]
    Yc = lc_ref[:, 65:66]
    Zc = lc_ref[:, 66:67]
    N = X.shape[1]
    csq = (Xc * Xc + Yc * Yc) + Zc * Zc
    psq = (X * X + Y * Y) + Z * Z

    def _bf(v):
        return v.astype(jnp.bfloat16).astype(jnp.float32)

    dot = (_bf(X) * _bf(Xc) + _bf(Y) * _bf(Yc)) + _bf(Z) * _bf(Zc)
    D = (csq + psq) - 2.0 * dot

    lane = jax.lax.broadcasted_iota(jnp.int32, (_KT, N), 1)
    lane_o = jax.lax.broadcasted_iota(jnp.int32, (_KT, _K), 1)
    sub_o = jax.lax.broadcasted_iota(jnp.int32, (_KT, _K), 0)
    zero_o = lane_o * 0 + sub_o * 0
    inf = jnp.float32(jnp.inf)

    def ext(k, D):
        m = jnp.min(D, axis=1, keepdims=True)
        idx = jnp.min(jnp.where(D == m, lane, N), axis=1, keepdims=True)
        out_ref[...] = jnp.where(lane_o == k, idx + zero_o, out_ref[...])
        return jnp.where(lane == idx, inf, D)

    jax.lax.fori_loop(0, _K, ext, D, unroll=16)


def _knn_pallas(lcg, xyzB):
    BG = lcg.shape[0]
    B, _, N = xyzB.shape
    tiles_per_b = _G // _KT
    return pl.pallas_call(
        _knn_body,
        grid=(BG // _KT,),
        in_specs=[
            pl.BlockSpec((_KT, 128), lambda t: (t, 0)),
            pl.BlockSpec((1, 3, N), lambda t: (t // tiles_per_b, 0, 0)),
        ],
        out_specs=pl.BlockSpec((_KT, _K), lambda t: (t, 0)),
        out_shape=jax.ShapeDtypeStruct((BG, _K), jnp.int32),
        compiler_params=pltpu.CompilerParams(
            dimension_semantics=("parallel",)),
    )(lcg, xyzB)


_W = 128


def _sc_gather(table, idx):
    V, D = table.shape
    M = idx.shape[0]
    idx2 = idx.reshape(1, M)
    mesh = plsc.VectorSubcoreMesh(core_axis_name="c", subcore_axis_name="s")

    @functools.partial(
        pl.kernel, mesh=mesh,
        out_type=jax.ShapeDtypeStruct((M, D), table.dtype))
    def k(table_hbm, idx_hbm, out_hbm):
        def body(i_vmem, o_vmem):
            pltpu.sync_copy(table_hbm.at[i_vmem.at[0]], o_vmem)

        pltpu.emit_pipeline(
            body,
            grid=(M // _W,),
            in_specs=[pl.BlockSpec((1, _W), index_map=lambda i: (0, i))],
            out_specs=[pl.BlockSpec((_W, D), index_map=lambda i: (i, 0))],
            core_axis_name=("c", "s"),
            dimension_semantics=(pltpu.PARALLEL,),
        )(idx_hbm, out_hbm)

    return k(table, idx2)


_TN = 256


def _sum_body(g_ref, lc_ref, out_ref):
    knn3 = g_ref[:, :, 64:67]
    lc3 = lc_ref[:, 64:67][:, None, :]
    diff = knn3 - lc3
    s1 = jnp.sum(diff)
    s2 = jnp.sum(diff * diff)
    lane = jax.lax.broadcasted_iota(jnp.int32, (1, 128), 1)
    part = jnp.where(lane == 0, s1, jnp.where(lane == 1, s2, 0.0))

    @pl.when(pl.program_id(0) == 0)
    def _():
        out_ref[...] = jnp.zeros_like(out_ref)

    out_ref[...] += part


def _finish_body(g_ref, lc_ref, scale_ref, nrm_ref, out_ref):
    g = g_ref[...]
    lc = lc_ref[...]
    scale = scale_ref[...][:, :, None]
    lane = jax.lax.broadcasted_iota(jnp.int32, g.shape, 2)
    lc3 = lc[:, None, :]
    coord = (lane >= 64) & (lane < 67)
    nrm_ref[...] = jnp.where(coord, (g - lc3) * scale, 0.0)
    lcsh = jnp.concatenate([lc[:, 64:], lc[:, :64]], axis=1)
    out_ref[...] = jnp.where(lane < 64, g, lcsh[:, None, :])


def _norm_pallas(g3, lcg):
    BG = g3.shape[0]
    n = jnp.float32(BG * _K * 3)
    sums = pl.pallas_call(
        _sum_body,
        grid=(BG // _TN,),
        in_specs=[
            pl.BlockSpec((_TN, _K, 128), lambda t: (t, 0, 0)),
            pl.BlockSpec((_TN, 128), lambda t: (t, 0)),
        ],
        out_specs=pl.BlockSpec((1, 128), lambda t: (0, 0)),
        out_shape=jax.ShapeDtypeStruct((1, 128), jnp.float32),
    )(g3, lcg)
    s1, s2 = sums[0, 0], sums[0, 1]
    mean = s1 / n
    var = (s2 - n * mean * mean) / (n - 1.0)
    scale = (1.0 / (jnp.sqrt(var) + 1e-05)).reshape(1, 1)
    return pl.pallas_call(
        _finish_body,
        grid=(BG // _TN,),
        in_specs=[
            pl.BlockSpec((_TN, _K, 128), lambda t: (t, 0, 0)),
            pl.BlockSpec((_TN, 128), lambda t: (t, 0)),
            pl.BlockSpec((1, 1), lambda t: (0, 0)),
        ],
        out_specs=[
            pl.BlockSpec((_TN, _K, 128), lambda t: (t, 0, 0)),
            pl.BlockSpec((_TN, _K, 128), lambda t: (t, 0, 0)),
        ],
        out_shape=[
            jax.ShapeDtypeStruct(g3.shape, jnp.float32),
            jax.ShapeDtypeStruct(g3.shape, jnp.float32),
        ],
        compiler_params=pltpu.CompilerParams(
            dimension_semantics=("parallel",)),
    )(g3, lcg, scale)


def kernel(xyz, x):
    B, N, _ = xyz.shape
    C = x.shape[-1]
    fps_idx = _fps_pallas(xyz)
    base = (jnp.arange(B, dtype=jnp.int32) * N)[:, None]
    fps_flat = (fps_idx + base).reshape(B * _G)
    xcat = jnp.concatenate(
        [x, xyz, jnp.zeros((B, N, 128 - C - 3), jnp.float32)],
        axis=-1).reshape(B * N, 128)
    lcg = _sc_gather(xcat, fps_flat)
    lc_xyz = lcg[:, C:C + 3].reshape(B, _G, 3)
    lc_x = lcg[:, :C].reshape(B, _G, C)
    xyzB = jnp.transpose(xyz, (0, 2, 1))
    knn_idx = _knn_pallas(lcg, xyzB)
    knn_flat = (knn_idx.reshape(B, _G * _K) + base).reshape(B * _G * _K)
    g3 = _sc_gather(xcat, knn_flat).reshape(B * _G, _K, 128)
    nrm, knn_x3 = _norm_pallas(g3, lcg)
    knn_xyz = nrm.reshape(B, _G, _K, 128)[..., C:C + 3]
    knn_x = knn_x3.reshape(B, _G, _K, 128)
    return (lc_xyz, lc_x, knn_xyz, knn_x)

# --- scband reference (transcript-rebuilt; emitter-appended) ---
"""Pipeline reference for scband-local-grouper-21397527069041 (READ-ONLY COPY).

The authoritative reference and input builder live on the scoring server;
editing this copy changes nothing except your own understanding.
"""

import jax, jax.numpy as jnp
import numpy as np

GROUP_NUM = 1024
K_NEIGHBORS = 32
TYPE = "mn40"


def setup_inputs(seed: int = 0):
    key = jax.random.key(seed)
    k1, k2 = jax.random.split(key)
    xyz = jax.random.normal(k1, (8, 4096, 3), dtype=jnp.float32)
    x = jax.random.normal(k2, (8, 4096, 64), dtype=jnp.float32)
    return {"xyz": xyz, "x": x}


def index_points(points, idx):
    # points: [B, N, C]; idx: [B, ...] -> [B, ..., C]
    return jax.vmap(lambda p, i: p[i])(points, idx)


def farthest_point_sample(xyz, npoint):
    B, N, _ = xyz.shape

    def body(i, carry):
        dist_min, farthest, centroids = carry
        centroids = centroids.at[:, i].set(farthest)
        centroid = jax.vmap(lambda p, j: p[j])(xyz, farthest)[:, None, :]
        d = jnp.sum((xyz - centroid) ** 2, axis=-1)
        dist_min = jnp.minimum(dist_min, d)
        farthest = jnp.argmax(dist_min, axis=-1).astype(jnp.int32)
        return (dist_min, farthest, centroids)

    dist0 = jnp.full((B, N), 1e10, dtype=jnp.float32)
    far0 = jnp.zeros((B,), dtype=jnp.int32)
    cent0 = jnp.zeros((B, npoint), dtype=jnp.int32)
    _, _, cent = jax.lax.fori_loop(0, npoint, body, (dist0, far0, cent0))
    return cent


def square_distance(src, dst):
    # src: [B, G, 3], dst: [B, N, 3] -> [B, G, N]
    return (jnp.sum(src ** 2, axis=-1)[:, :, None]
            + jnp.sum(dst ** 2, axis=-1)[:, None, :]
            - 2.0 * jnp.einsum("bgd,bnd->bgn", src, dst))


def knn_point(k, xyz, new_xyz):
    d = square_distance(new_xyz, xyz)
    _, idx = jax.lax.top_k(-d, k)  # smallest-distance neighbors, ascending
    return idx


def reference(xyz, x):
    fps_idx = farthest_point_sample(xyz, GROUP_NUM)
    lc_xyz = index_points(xyz, fps_idx)
    lc_x = index_points(x, fps_idx)
    knn_idx = knn_point(K_NEIGHBORS, xyz, lc_xyz)
    knn_xyz = index_points(xyz, knn_idx)
    knn_x = index_points(x, knn_idx)
    if TYPE == "mn40":
        mean_xyz = lc_xyz[:, :, None, :]
        std_xyz = jnp.std(knn_xyz - mean_xyz, ddof=1)  # torch.std is unbiased
        knn_xyz = (knn_xyz - mean_xyz) / (std_xyz + 1e-05)
    elif TYPE == "scan":
        knn_xyz = jnp.transpose(knn_xyz, (0, 3, 1, 2))
        knn_xyz = knn_xyz - jnp.transpose(lc_xyz, (0, 2, 1))[..., None]
        knn_xyz = knn_xyz / jnp.max(jnp.abs(knn_xyz), axis=-1, keepdims=True)
        knn_xyz = jnp.transpose(knn_xyz, (0, 2, 3, 1))
    b, g, k, _ = knn_x.shape
    knn_x = jnp.concatenate(
        [knn_x, jnp.broadcast_to(lc_x[:, :, None, :], (b, g, k, lc_x.shape[-1]))],
        axis=-1)
    return (lc_xyz, lc_x, knn_xyz, knn_x)

if __name__ == "__main__":
    import jax
    _d = setup_inputs()
    print(jax.jit(kernel)(*tuple(_d.values())))

</pallas_src>

<mosaic_0001>
#map = affine_map<(d0, d1) -> (0, 0)>
module attributes {stable_mosaic.version = 14 : i64} {
  func.func @k(%arg0: i32, %arg1: i32, %arg2: memref<32768x128xf32, #tpu.memory_space<hbm>>, %arg3: memref<1x262144xi32, #tpu.memory_space<hbm>>, %arg4: memref<262144x128xf32, #tpu.memory_space<hbm>>) attributes {dimension_semantics = [#tpu.dimension_semantics<core_parallel>, #tpu.dimension_semantics<subcore_parallel>], iteration_bounds = array<i64: 2, 16>, scalar_prefetch = 0 : i64, scratch_operands = 0 : i64, tpu.core_type = #tpu.core_type<sc_vector_subcore>, window_params = [{transform_indices = #map}, {transform_indices = #map}, {transform_indices = #map}]} {
    %mul3A = arith.constant 1 : i32
    %mul3A_0 = arith.muli %arg1, %mul3A : i32
    %add3A = arith.constant 0 : i32
    %add3A_1 = arith.addi %add3A, %mul3A_0 : i32
    %mul3A_2 = arith.constant 16 : i32
    %mul3A_3 = arith.muli %arg0, %mul3A_2 : i32
    %add3A_4 = arith.addi %add3A_1, %mul3A_3 : i32
    %mul3A_5 = arith.constant 64 : i32
    %mul3A_6 = arith.muli %add3A_4, %mul3A_5 : i32
    "tpu.region"() ({
      %run_scoped3A = memref.alloca() : memref<2x1x128xi32, #tpu.memory_space<vmem>>
      %run_scoped3A_7 = tpu.sem_alloc : memref<2x!tpu.dma_semaphore, #tpu.memory_space<semaphore_mem>>
      %run_scoped3A_8 = memref.alloca() : memref<2x128x128xf32, #tpu.memory_space<vmem>>
      %run_scoped3A_9 = tpu.sem_alloc : memref<2x!tpu.dma_semaphore, #tpu.memory_space<semaphore_mem>>
      %add3A_10 = arith.constant 0 : i32
      %add3A_11 = arith.addi %add3A_10, %mul3A_6 : i32
      %select_n3A = arith.constant true
      %select_n3A_12 = arith.constant 0 : i32
      %select_n3A_13 = arith.constant -1 : i32
      %select_n3A_14 = arith.select %select_n3A, %select_n3A_13, %select_n3A_12 : i32
      %eq3A = arith.constant -1 : i32
      %eq3A_15 = arith.cmpi eq, %select_n3A_14, %eq3A : i32
      %select_n3A_16 = arith.constant 63 : i32
      %select_n3A_17 = arith.select %eq3A_15, %select_n3A_16, %select_n3A_14 : i32
      %add3A_18 = arith.addi %select_n3A_17, %mul3A_6 : i32
      %select_n3A_19 = arith.constant true
      %select_n3A_20 = arith.constant 0 : i32
      %select_n3A_21 = arith.constant 1 : i32
      %select_n3A_22 = arith.select %select_n3A_19, %select_n3A_21, %select_n3A_20 : i32
      %eq3A_23 = arith.constant 64 : i32
      %eq3A_24 = arith.cmpi eq, %select_n3A_22, %eq3A_23 : i32
      %select_n3A_25 = arith.constant 0 : i32
      %select_n3A_26 = arith.select %eq3A_24, %select_n3A_25, %select_n3A_22 : i32
      %add3A_27 = arith.addi %select_n3A_26, %mul3A_6 : i32
      %add3A_28 = arith.constant 1 : i32
      %add3A_29 = arith.addi %select_n3A_26, %add3A_28 : i32
      %select_n3A_30 = arith.constant true
      %select_n3A_31 = arith.select %select_n3A_30, %add3A_29, %select_n3A_26 : i32
      %eq3A_32 = arith.constant 64 : i32
      %eq3A_33 = arith.cmpi eq, %select_n3A_31, %eq3A_32 : i32
      %select_n3A_34 = arith.constant 0 : i32
      %select_n3A_35 = arith.select %eq3A_33, %select_n3A_34, %select_n3A_31 : i32
      %add3A_36 = arith.addi %select_n3A_35, %mul3A_6 : i32
      "tpu.trace_start"() <{level = 10 : i32, message = "ep_initialize_0"}> : () -> ()
      %rem3A = arith.constant 0 : i32
      %rem3A_37 = arith.constant 2 : i32
      %rem3A_38 = arith.remui %rem3A, %rem3A_37 : i32
      %mul3A_39 = arith.constant 128 : i32
      %mul3A_40 = arith.muli %mul3A_39, %add3A_11 : i32
      %dma_start3A = arith.constant 0 : i32
      %dma_start3A_41 = arith.constant 0 : i32
      %dma_start3A_42 = tpu.memref_slice %run_scoped3A[%rem3A_38, %dma_start3A, %dma_start3A_41] : memref<2x1x128xi32, #tpu.memory_space<vmem>> -> memref<1x1x128xi32, #tpu.memory_space<vmem>>
      %dma_start3A_43 = tpu.memref_squeeze %dma_start3A_42 : memref<1x1x128xi32, #tpu.memory_space<vmem>> -> memref<1x128xi32, #tpu.memory_space<vmem>>
      %dma_start3A_44 = arith.constant 0 : i32
      %dma_start3A_45 = tpu.memref_slice %arg3[%dma_start3A_44, %mul3A_40] : memref<1x262144xi32, #tpu.memory_space<hbm>> -> memref<1x128xi32, #tpu.memory_space<hbm>>
      %dma_start3A_46 = tpu.memref_slice %run_scoped3A_7[%rem3A_38] : memref<2x!tpu.dma_semaphore, #tpu.memory_space<semaphore_mem>> -> memref<1x!tpu.dma_semaphore, #tpu.memory_space<semaphore_mem>>
      %dma_start3A_47 = tpu.memref_squeeze %dma_start3A_46 : memref<1x!tpu.dma_semaphore, #tpu.memory_space<semaphore_mem>> -> memref<!tpu.dma_semaphore, #tpu.memory_space<semaphore_mem>>
      %dma_start3A_48 = arith.constant 0 : i32
      %dma_start3A_49 = arith.constant 0 : i32
      %dma_start3A_50 = tpu.memref_slice %run_scoped3A[%rem3A_38, %dma_start3A_48, %dma_start3A_49] : memref<2x1x128xi32, #tpu.memory_space<vmem>> -> memref<1x1x128xi32, #tpu.memory_space<vmem>>
      %dma_start3A_51 = tpu.memref_squeeze %dma_start3A_50 : memref<1x1x128xi32, #tpu.memory_space<vmem>> -> memref<1x128xi32, #tpu.memory_space<vmem>>
      %dma_start3A_52 = arith.constant 0 : i32
      %dma_start3A_53 = tpu.memref_slice %arg3[%dma_start3A_52, %mul3A_40] : memref<1x262144xi32, #tpu.memory_space<hbm>> -> memref<1x128xi32, #tpu.memory_space<hbm>>
      tpu.enqueue_dma source(%dma_start3A_53 : memref<1x128xi32, #tpu.memory_space<hbm>>) target(%dma_start3A_51 : memref<1x128xi32, #tpu.memory_space<vmem>>) target_semaphore(%dma_start3A_47 : memref<!tpu.dma_semaphore, #tpu.memory_space<semaphore_mem>>)
      %add3A_54 = arith.constant 0 : i32
      %add3A_55 = arith.constant 1 : i32
      %add3A_56 = arith.addi %add3A_54, %add3A_55 : i32
      %select_n3A_57 = arith.constant true
      %select_n3A_58 = arith.constant 0 : i32
      %select_n3A_59 = arith.select %select_n3A_57, %add3A_56, %select_n3A_58 : i32
      "tpu.trace_stop"() : () -> ()
      %scan3A = arith.constant 0 : i32
      %scan3A_60 = arith.constant 0 : i32
      %scan3A_61 = arith.constant 0 : i32
      %scan3A_62 = arith.constant 0 : i32
      %scan3A_63 = arith.constant 0 : i32
      %scan3A_64 = arith.constant 64 : i32
      %scan3A_65 = arith.addi %scan3A_63, %scan3A_64 : i32
      %scan3A_66 = arith.constant 1 : i32
      %scan3A_67:5 = scf.for %scan3A_121 = %scan3A_63 to %scan3A_65 step %scan3A_66 iter_args(%scan3A_122 = %select_n3A_59, %scan3A_123 = %scan3A, %scan3A_124 = %scan3A_60, %scan3A_125 = %scan3A_61, %scan3A_126 = %scan3A_62) -> (i32, i32, i32, i32, i32)  : i32 {
        %eq3A_127 = arith.constant 0 : i32
        %eq3A_128 = arith.cmpi eq, %scan3A_121, %eq3A_127 : i32
        %eq3A_129 = arith.constant 63 : i32
        %eq3A_130 = arith.cmpi eq, %scan3A_121, %eq3A_129 : i32
        %add3A_131 = arith.addi %scan3A_126, %mul3A_6 : i32
        %sub3A_132 = arith.constant 1 : i32
        %sub3A_133 = arith.subi %scan3A_126, %sub3A_132 : i32
        %select_n3A_134 = arith.constant true
        %select_n3A_135 = arith.select %select_n3A_134, %sub3A_133, %scan3A_126 : i32
        %eq3A_136 = arith.constant -1 : i32
        %eq3A_137 = arith.cmpi eq, %select_n3A_135, %eq3A_136 : i32
        %select_n3A_138 = arith.constant 63 : i32
        %select_n3A_139 = arith.select %eq3A_137, %select_n3A_138, %select_n3A_135 : i32
        %add3A_140 = arith.addi %select_n3A_139, %mul3A_6 : i32
        %add3A_141 = arith.constant 1 : i32
        %add3A_142 = arith.addi %scan3A_126, %add3A_141 : i32
        %select_n3A_143 = arith.constant true
        %select_n3A_144 = arith.select %select_n3A_143, %add3A_142, %scan3A_126 : i32
        %eq3A_145 = arith.constant 64 : i32
        %eq3A_146 = arith.cmpi eq, %select_n3A_144, %eq3A_145 : i32
        %select_n3A_147 = arith.constant 0 : i32
        %select_n3A_148 = arith.select %eq3A_146, %select_n3A_147, %select_n3A_144 : i32
        %add3A_149 = arith.addi %select_n3A_148, %mul3A_6 : i32
        %add3A_150 = arith.constant 1 : i32
        %add3A_151 = arith.addi %select_n3A_148, %add3A_150 : i32
        %select_n3A_152 = arith.constant true
        %select_n3A_153 = arith.select %select_n3A_152, %add3A_151, %select_n3A_148 : i32
        %eq3A_154 = arith.constant 64 : i32
        %eq3A_155 = arith.cmpi eq, %select_n3A_153, %eq3A_154 : i32
        %select_n3A_156 = arith.constant 0 : i32
        %select_n3A_157 = arith.select %eq3A_155, %select_n3A_156, %select_n3A_153 : i32
        %add3A_158 = arith.addi %select_n3A_157, %mul3A_6 : i32
        %ne3A = arith.cmpi ne, %add3A_131, %add3A_149 : i32
        %or3A = arith.constant false
        %or3A_159 = arith.ori %or3A, %ne3A : i1
        %ge3A = arith.constant 63 : i32
        %ge3A_160 = arith.cmpi sge, %scan3A_121, %ge3A : i32
        %not3A = arith.constant true
        %not3A_161 = arith.xori %ge3A_160, %not3A : i1
        %and3A = arith.andi %or3A_159, %not3A_161 : i1
        %convert_element_type3A = arith.extui %and3A : i1 to i32
        %cond3A = arith.constant 0 : i32
        %cond3A_162 = arith.cmpi ne, %convert_element_type3A, %cond3A : i32
        scf.if %cond3A_162 {
          "tpu.trace_start"() <{level = 10 : i32, message = "ep_copy_in"}> : () -> ()
          %rem3A_264 = arith.constant 2 : i32
          %rem3A_265 = arith.remui %scan3A_122, %rem3A_264 : i32
          %mul3A_266 = arith.constant 128 : i32
          %mul3A_267 = arith.muli %mul3A_266, %add3A_149 : i32
          %dma_start3A_268 = arith.constant 0 : i32
          %dma_start3A_269 = arith.constant 0 : i32
          %dma_start3A_270 = tpu.memref_slice %run_scoped3A[%rem3A_265, %dma_start3A_268, %dma_start3A_269] : memref<2x1x128xi32, #tpu.memory_space<vmem>> -> memref<1x1x128xi32, #tpu.memory_space<vmem>>
          %dma_start3A_271 = tpu.memref_squeeze %dma_start3A_270 : memref<1x1x128xi32, #tpu.memory_space<vmem>> -> memref<1x128xi32, #tpu.memory_space<vmem>>
          %dma_start3A_272 = arith.constant 0 : i32
          %dma_start3A_273 = tpu.memref_slice %arg3[%dma_start3A_272, %mul3A_267] : memref<1x262144xi32, #tpu.memory_space<hbm>> -> memref<1x128xi32, #tpu.memory_space<hbm>>
          %dma_start3A_274 = tpu.memref_slice %run_scoped3A_7[%rem3A_265] : memref<2x!tpu.dma_semaphore, #tpu.memory_space<semaphore_mem>> -> memref<1x!tpu.dma_semaphore, #tpu.memory_space<semaphore_mem>>
          %dma_start3A_275 = tpu.memref_squeeze %dma_start3A_274 : memref<1x!tpu.dma_semaphore, #tpu.memory_space<semaphore_mem>> -> memref<!tpu.dma_semaphore, #tpu.memory_space<semaphore_mem>>
          %dma_start3A_276 = arith.constant 0 : i32
          %dma_start3A_277 = arith.constant 0 : i32
          %dma_start3A_278 = tpu.memref_slice %run_scoped3A[%rem3A_265, %dma_start3A_276, %dma_start3A_277] : memref<2x1x128xi32, #tpu.memory_space<vmem>> -> memref<1x1x128xi32, #tpu.memory_space<vmem>>
          %dma_start3A_279 = tpu.memref_squeeze %dma_start3A_278 : memref<1x1x128xi32, #tpu.memory_space<vmem>> -> memref<1x128xi32, #tpu.memory_space<vmem>>
          %dma_start3A_280 = arith.constant 0 : i32
          %dma_start3A_281 = tpu.memref_slice %arg3[%dma_start3A_280, %mul3A_267] : memref<1x262144xi32, #tpu.memory_space<hbm>> -> memref<1x128xi32, #tpu.memory_space<hbm>>
          tpu.enqueue_dma source(%dma_start3A_281 : memref<1x128xi32, #tpu.memory_space<hbm>>) target(%dma_start3A_279 : memref<1x128xi32, #tpu.memory_space<vmem>>) target_semaphore(%dma_start3A_275 : memref<!tpu.dma_semaphore, #tpu.memory_space<semaphore_mem>>)
          "tpu.trace_stop"() : () -> ()
        } else {
        }
        %and3A_163 = arith.constant true
        %and3A_164 = arith.andi %and3A, %and3A_163 : i1
        %add3A_165 = arith.constant 1 : i32
        %add3A_166 = arith.addi %scan3A_122, %add3A_165 : i32
        %select_n3A_167 = arith.select %and3A_164, %add3A_166, %scan3A_122 : i32
        %ne3A_168 = arith.cmpi ne, %add3A_131, %add3A_149 : i32
        %or3A_169 = arith.constant false
        %or3A_170 = arith.ori %or3A_169, %ne3A_168 : i1
        %or3A_171 = arith.constant false
        %or3A_172 = arith.ori %or3A_170, %or3A_171 : i1
        %ge3A_173 = arith.constant 63 : i32
        %ge3A_174 = arith.cmpi sge, %scan3A_121, %ge3A_173 : i32
        %not3A_175 = arith.constant true
        %not3A_176 = arith.xori %ge3A_174, %not3A_175 : i1
        %and3A_177 = arith.andi %or3A_172, %not3A_176 : i1
        %ne3A_178 = arith.cmpi ne, %add3A_131, %add3A_140 : i32
        %or3A_179 = arith.constant false
        %or3A_180 = arith.ori %or3A_179, %ne3A_178 : i1
        %or3A_181 = arith.ori %or3A_180, %eq3A_128 : i1
        %convert_element_type3A_182 = arith.extui %or3A_181 : i1 to i32
        %cond3A_183 = arith.constant 0 : i32
        %cond3A_184 = arith.cmpi ne, %convert_element_type3A_182, %cond3A_183 : i32
        scf.if %cond3A_184 {
          "tpu.trace_start"() <{level = 10 : i32, message = "ep_wait_in"}> : () -> ()
          %mul3A_264 = arith.constant 128 : i32
          %mul3A_265 = arith.muli %mul3A_264, %add3A_131 : i32
          %rem3A_266 = arith.constant 2 : i32
          %rem3A_267 = arith.remui %scan3A_123, %rem3A_266 : i32
          %dma_wait3A_268 = arith.constant 0 : i32
          %dma_wait3A_269 = arith.constant 0 : i32
          %dma_wait3A_270 = tpu.memref_slice %run_scoped3A[%rem3A_267, %dma_wait3A_268, %dma_wait3A_269] : memref<2x1x128xi32, #tpu.memory_space<vmem>> -> memref<1x1x128xi32, #tpu.memory_space<vmem>>
          %dma_wait3A_271 = tpu.memref_squeeze %dma_wait3A_270 : memref<1x1x128xi32, #tpu.memory_space<vmem>> -> memref<1x128xi32, #tpu.memory_space<vmem>>
          %dma_wait3A_272 = arith.constant 0 : i32
          %dma_wait3A_273 = tpu.memref_slice %arg3[%dma_wait3A_272, %mul3A_265] : memref<1x262144xi32, #tpu.memory_space<hbm>> -> memref<1x128xi32, #tpu.memory_space<hbm>>
          %dma_wait3A_274 = tpu.memref_slice %run_scoped3A_7[%rem3A_267] : memref<2x!tpu.dma_semaphore, #tpu.memory_space<semaphore_mem>> -> memref<1x!tpu.dma_semaphore, #tpu.memory_space<semaphore_mem>>
          %dma_wait3A_275 = tpu.memref_squeeze %dma_wait3A_274 : memref<1x!tpu.dma_semaphore, #tpu.memory_space<semaphore_mem>> -> memref<!tpu.dma_semaphore, #tpu.memory_space<semaphore_mem>>
          %dma_wait3A_276 = arith.constant 0 : i32
          %dma_wait3A_277 = arith.constant 0 : i32
          %dma_wait3A_278 = tpu.memref_slice %run_scoped3A[%rem3A_267, %dma_wait3A_276, %dma_wait3A_277] : memref<2x1x128xi32, #tpu.memory_space<vmem>> -> memref<1x1x128xi32, #tpu.memory_space<vmem>>
          %dma_wait3A_279 = tpu.memref_squeeze %dma_wait3A_278 : memref<1x1x128xi32, #tpu.memory_space<vmem>> -> memref<1x128xi32, #tpu.memory_space<vmem>>
          %dma_wait3A_280 = arith.constant 0 : i32
          %dma_wait3A_281 = tpu.memref_slice %arg3[%dma_wait3A_280, %mul3A_265] : memref<1x262144xi32, #tpu.memory_space<hbm>> -> memref<1x128xi32, #tpu.memory_space<hbm>>
          tpu.wait_dma2 semaphore(%dma_wait3A_275 : memref<!tpu.dma_semaphore, #tpu.memory_space<semaphore_mem>>) src(%dma_wait3A_281 : memref<1x128xi32, #tpu.memory_space<hbm>>) dst(%dma_wait3A_279 : memref<1x128xi32, #tpu.memory_space<vmem>>)
          "tpu.trace_stop"() : () -> ()
        } else {
        }
        %ne3A_185 = arith.cmpi ne, %add3A_131, %add3A_140 : i32
        %or3A_186 = arith.constant false
        %or3A_187 = arith.ori %or3A_186, %ne3A_185 : i1
        %or3A_188 = arith.constant false
        %or3A_189 = arith.ori %or3A_187, %or3A_188 : i1
        %or3A_190 = arith.ori %or3A_189, %eq3A_128 : i1
        %convert_element_type3A_191 = arith.extui %or3A_190 : i1 to i32
        %cond3A_192 = arith.constant 0 : i32
        %cond3A_193 = arith.cmpi ne, %convert_element_type3A_191, %cond3A_192 : i32
        scf.if %cond3A_193 {
        } else {
        }
        %rem3A_194 = arith.constant 2 : i32
        %rem3A_195 = arith.remui %scan3A_123, %rem3A_194 : i32
        %rem3A_196 = arith.constant 2 : i32
        %rem3A_197 = arith.remui %scan3A_124, %rem3A_196 : i32
        %run_scoped3A_198 = arith.constant 0 : i32
        "tpu.trace_start"() <{level = 10 : i32, message = "ep_run_kernel"}> : () -> ()
        "tpu.region"() ({
          %run_scoped3A_264 = tpu.sem_alloc : memref<!tpu.dma_semaphore, #tpu.memory_space<semaphore_mem>>
          %dma_start3A_265 = arith.constant 0 : i32
          %dma_start3A_266 = arith.constant 0 : i32
          %dma_start3A_267 = tpu.memref_slice %run_scoped3A_8[%rem3A_197, %dma_start3A_265, %dma_start3A_266] : memref<2x128x128xf32, #tpu.memory_space<vmem>> -> memref<1x128x128xf32, #tpu.memory_space<vmem>>
          %dma_start3A_268 = tpu.memref_squeeze %dma_start3A_267 : memref<1x128x128xf32, #tpu.memory_space<vmem>> -> memref<128x128xf32, #tpu.memory_space<vmem>>
          %dma_start3A_269 = arith.constant 0 : i32
          %dma_start3A_270 = arith.constant 0 : i32
          %dma_start3A_271 = tpu.memref_slice %run_scoped3A[%rem3A_195, %dma_start3A_269, %dma_start3A_270] : memref<2x1x128xi32, #tpu.memory_space<vmem>> -> memref<1x1x128xi32, #tpu.memory_space<vmem>>
          %dma_start3A_272 = tpu.memref_squeeze %dma_start3A_271 : memref<1x1x128xi32, #tpu.memory_space<vmem>> -> memref<1x128xi32, #tpu.memory_space<vmem>>
          %dma_start3A_273 = arith.constant 0 : i32
          %dma_start3A_274 = tpu.memref_slice %dma_start3A_272[%run_scoped3A_198, %dma_start3A_273] : memref<1x128xi32, #tpu.memory_space<vmem>> -> memref<1x128xi32, #tpu.memory_space<vmem>>
          %dma_start3A_275 = tpu.memref_squeeze %dma_start3A_274 : memref<1x128xi32, #tpu.memory_space<vmem>> -> memref<128xi32, #tpu.memory_space<vmem>>
          %dma_start3A_276 = arith.constant 0 : i32
          %dma_start3A_277 = arith.constant 0 : i32
          %dma_start3A_278 = tpu.memref_slice %arg2[%dma_start3A_276, %dma_start3A_277] : memref<32768x128xf32, #tpu.memory_space<hbm>> -> memref<32768x128xf32, #tpu.memory_space<hbm>>
          tpu.enqueue_indirect_dma source(%dma_start3A_278 : memref<32768x128xf32, #tpu.memory_space<hbm>>) target(%dma_start3A_268 : memref<128x128xf32, #tpu.memory_space<vmem>>) offsets(%dma_start3A_275 : memref<128xi32, #tpu.memory_space<vmem>>) semaphore(%run_scoped3A_264 : memref<!tpu.dma_semaphore, #tpu.memory_space<semaphore_mem>>)
          %dma_wait3A_279 = arith.constant 0 : i32
          %dma_wait3A_280 = arith.constant 0 : i32
          %dma_wait3A_281 = tpu.memref_slice %run_scoped3A_8[%rem3A_197, %dma_wait3A_279, %dma_wait3A_280] : memref<2x128x128xf32, #tpu.memory_space<vmem>> -> memref<1x128x128xf32, #tpu.memory_space<vmem>>
          %dma_wait3A_282 = tpu.memref_squeeze %dma_wait3A_281 : memref<1x128x128xf32, #tpu.memory_space<vmem>> -> memref<128x128xf32, #tpu.memory_space<vmem>>
          %dma_wait3A_283 = arith.constant 0 : i32
          %dma_wait3A_284 = arith.constant 0 : i32
          %dma_wait3A_285 = tpu.memref_slice %run_scoped3A[%rem3A_195, %dma_wait3A_283, %dma_wait3A_284] : memref<2x1x128xi32, #tpu.memory_space<vmem>> -> memref<1x1x128xi32, #tpu.memory_space<vmem>>
          %dma_wait3A_286 = tpu.memref_squeeze %dma_wait3A_285 : memref<1x1x128xi32, #tpu.memory_space<vmem>> -> memref<1x128xi32, #tpu.memory_space<vmem>>
          %dma_wait3A_287 = arith.constant 0 : i32
          %dma_wait3A_288 = tpu.memref_slice %dma_wait3A_286[%run_scoped3A_198, %dma_wait3A_287] : memref<1x128xi32, #tpu.memory_space<vmem>> -> memref<1x128xi32, #tpu.memory_space<vmem>>
          %dma_wait3A_289 = tpu.memref_squeeze %dma_wait3A_288 : memref<1x128xi32, #tpu.memory_space<vmem>> -> memref<128xi32, #tpu.memory_space<vmem>>
          %dma_wait3A_290 = arith.constant 0 : i32
          %dma_wait3A_291 = arith.constant 0 : i32
          %dma_wait3A_292 = tpu.memref_slice %arg2[%dma_wait3A_290, %dma_wait3A_291] : memref<32768x128xf32, #tpu.memory_space<hbm>> -> memref<32768x128xf32, #tpu.memory_space<hbm>>
          tpu.wait_indirect_dma semaphore(%run_scoped3A_264 : memref<!tpu.dma_semaphore, #tpu.memory_space<semaphore_mem>>) src(%dma_wait3A_292 : memref<32768x128xf32, #tpu.memory_space<hbm>>) dst(%dma_wait3A_282 : memref<128x128xf32, #tpu.memory_space<vmem>>)
          tpu.yield
        }) : () -> ()
        "tpu.trace_stop"() : () -> ()
        %ne3A_199 = arith.cmpi ne, %add3A_131, %add3A_149 : i32
        %or3A_200 = arith.constant false
        %or3A_201 = arith.ori %or3A_200, %ne3A_199 : i1
        %or3A_202 = arith.ori %or3A_201, %eq3A_130 : i1
        %convert_element_type3A_203 = arith.extui %or3A_202 : i1 to i32
        %cond3A_204 = arith.constant 0 : i32
        %cond3A_205 = arith.cmpi ne, %convert_element_type3A_203, %cond3A_204 : i32
        scf.if %cond3A_205 {
        } else {
        }
        %and3A_206 = arith.constant false
        %and3A_207 = arith.andi %or3A_202, %and3A_206 : i1
        %ne3A_208 = arith.cmpi ne, %add3A_131, %add3A_149 : i32
        %or3A_209 = arith.constant false
        %or3A_210 = arith.ori %or3A_209, %ne3A_208 : i1
        %or3A_211 = arith.constant false
        %or3A_212 = arith.ori %or3A_210, %or3A_211 : i1
        %or3A_213 = arith.ori %or3A_212, %eq3A_130 : i1
        %convert_element_type3A_214 = arith.extui %or3A_213 : i1 to i32
        %cond3A_215 = arith.constant 0 : i32
        %cond3A_216 = arith.cmpi ne, %convert_element_type3A_214, %cond3A_215 : i32
        scf.if %cond3A_216 {
          "tpu.trace_start"() <{level = 10 : i32, message = "ep_copy_out"}> : () -> ()
          %rem3A_264 = arith.constant 2 : i32
          %rem3A_265 = arith.remui %scan3A_124, %rem3A_264 : i32
          %mul3A_266 = arith.constant 128 : i32
          %mul3A_267 = arith.muli %mul3A_266, %add3A_131 : i32
          %dma_start3A_268 = arith.constant 0 : i32
          %dma_start3A_269 = arith.constant 0 : i32
          %dma_start3A_270 = tpu.memref_slice %run_scoped3A_8[%rem3A_265, %dma_start3A_268, %dma_start3A_269] : memref<2x128x128xf32, #tpu.memory_space<vmem>> -> memref<1x128x128xf32, #tpu.memory_space<vmem>>
          %dma_start3A_271 = tpu.memref_squeeze %dma_start3A_270 : memref<1x128x128xf32, #tpu.memory_space<vmem>> -> memref<128x128xf32, #tpu.memory_space<vmem>>
          %dma_start3A_272 = arith.constant 0 : i32
          %dma_start3A_273 = tpu.memref_slice %arg4[%mul3A_267, %dma_start3A_272] : memref<262144x128xf32, #tpu.memory_space<hbm>> -> memref<128x128xf32, #tpu.memory_space<hbm>>
          %dma_start3A_274 = tpu.memref_slice %run_scoped3A_9[%rem3A_265] : memref<2x!tpu.dma_semaphore, #tpu.memory_space<semaphore_mem>> -> memref<1x!tpu.dma_semaphore, #tpu.memory_space<semaphore_mem>>
          %dma_start3A_275 = tpu.memref_squeeze %dma_start3A_274 : memref<1x!tpu.dma_semaphore, #tpu.memory_space<semaphore_mem>> -> memref<!tpu.dma_semaphore, #tpu.memory_space<semaphore_mem>>
          %dma_start3A_276 = arith.constant 0 : i32
          %dma_start3A_277 = tpu.memref_slice %arg4[%mul3A_267, %dma_start3A_276] : memref<262144x128xf32, #tpu.memory_space<hbm>> -> memref<128x128xf32, #tpu.memory_space<hbm>>
          %dma_start3A_278 = arith.constant 0 : i32
          %dma_start3A_279 = arith.constant 0 : i32
          %dma_start3A_280 = tpu.memref_slice %run_scoped3A_8[%rem3A_265, %dma_start3A_278, %dma_start3A_279] : memref<2x128x128xf32, #tpu.memory_space<vmem>> -> memref<1x128x128xf32, #tpu.memory_space<vmem>>
          %dma_start3A_281 = tpu.memref_squeeze %dma_start3A_280 : memref<1x128x128xf32, #tpu.memory_space<vmem>> -> memref<128x128xf32, #tpu.memory_space<vmem>>
          tpu.enqueue_dma source(%dma_start3A_281 : memref<128x128xf32, #tpu.memory_space<vmem>>) target(%dma_start3A_277 : memref<128x128xf32, #tpu.memory_space<hbm>>) target_semaphore(%dma_start3A_275 : memref<!tpu.dma_semaphore, #tpu.memory_space<semaphore_mem>>)
          "tpu.trace_stop"() : () -> ()
        } else {
        }
        %and3A_217 = arith.constant true
        %and3A_218 = arith.andi %or3A_213, %and3A_217 : i1
        %add3A_219 = arith.constant 1 : i32
        %add3A_220 = arith.addi %scan3A_124, %add3A_219 : i32
        %select_n3A_221 = arith.select %and3A_218, %add3A_220, %scan3A_124 : i32
        %ne3A_222 = arith.cmpi ne, %add3A_131, %add3A_140 : i32
        %or3A_223 = arith.constant false
        %or3A_224 = arith.ori %or3A_223, %ne3A_222 : i1
        %not3A_225 = arith.constant true
        %not3A_226 = arith.xori %eq3A_128, %not3A_225 : i1
        %and3A_227 = arith.andi %or3A_224, %not3A_226 : i1
        %convert_element_type3A_228 = arith.extui %and3A_227 : i1 to i32
        %cond3A_229 = arith.constant 0 : i32
        %cond3A_230 = arith.cmpi ne, %convert_element_type3A_228, %cond3A_229 : i32
        scf.if %cond3A_230 {
        } else {
        }
        %and3A_231 = arith.constant false
        %and3A_232 = arith.andi %and3A_227, %and3A_231 : i1
        %ne3A_233 = arith.cmpi ne, %add3A_131, %add3A_140 : i32
        %or3A_234 = arith.constant false
        %or3A_235 = arith.ori %or3A_234, %ne3A_233 : i1
        %or3A_236 = arith.constant false
        %or3A_237 = arith.ori %or3A_235, %or3A_236 : i1
        %not3A_238 = arith.constant true
        %not3A_239 = arith.xori %eq3A_128, %not3A_238 : i1
        %and3A_240 = arith.andi %or3A_237, %not3A_239 : i1
        %convert_element_type3A_241 = arith.extui %and3A_240 : i1 to i32
        %cond3A_242 = arith.constant 0 : i32
        %cond3A_243 = arith.cmpi ne, %convert_element_type3A_241, %cond3A_242 : i32
        scf.if %cond3A_243 {
          "tpu.trace_start"() <{level = 10 : i32, message = "ep_wait_out"}> : () -> ()
          %rem3A_264 = arith.constant 2 : i32
          %rem3A_265 = arith.remui %scan3A_125, %rem3A_264 : i32
          %mul3A_266 = arith.constant 128 : i32
          %mul3A_267 = arith.muli %mul3A_266, %add3A_140 : i32
          %dma_wait3A_268 = arith.constant 0 : i32
          %dma_wait3A_269 = arith.constant 0 : i32
          %dma_wait3A_270 = tpu.memref_slice %run_scoped3A_8[%rem3A_265, %dma_wait3A_268, %dma_wait3A_269] : memref<2x128x128xf32, #tpu.memory_space<vmem>> -> memref<1x128x128xf32, #tpu.memory_space<vmem>>
          %dma_wait3A_271 = tpu.memref_squeeze %dma_wait3A_270 : memref<1x128x128xf32, #tpu.memory_space<vmem>> -> memref<128x128xf32, #tpu.memory_space<vmem>>
          %dma_wait3A_272 = arith.constant 0 : i32
          %dma_wait3A_273 = tpu.memref_slice %arg4[%mul3A_267, %dma_wait3A_272] : memref<262144x128xf32, #tpu.memory_space<hbm>> -> memref<128x128xf32, #tpu.memory_space<hbm>>
          %dma_wait3A_274 = tpu.memref_slice %run_scoped3A_9[%rem3A_265] : memref<2x!tpu.dma_semaphore, #tpu.memory_space<semaphore_mem>> -> memref<1x!tpu.dma_semaphore, #tpu.memory_space<semaphore_mem>>
          %dma_wait3A_275 = tpu.memref_squeeze %dma_wait3A_274 : memref<1x!tpu.dma_semaphore, #tpu.memory_space<semaphore_mem>> -> memref<!tpu.dma_semaphore, #tpu.memory_space<semaphore_mem>>
          %dma_wait3A_276 = arith.constant 0 : i32
          %dma_wait3A_277 = tpu.memref_slice %arg4[%mul3A_267, %dma_wait3A_276] : memref<262144x128xf32, #tpu.memory_space<hbm>> -> memref<128x128xf32, #tpu.memory_space<hbm>>
          %dma_wait3A_278 = arith.constant 0 : i32
          %dma_wait3A_279 = arith.constant 0 : i32
          %dma_wait3A_280 = tpu.memref_slice %run_scoped3A_8[%rem3A_265, %dma_wait3A_278, %dma_wait3A_279] : memref<2x128x128xf32, #tpu.memory_space<vmem>> -> memref<1x128x128xf32, #tpu.memory_space<vmem>>
          %dma_wait3A_281 = tpu.memref_squeeze %dma_wait3A_280 : memref<1x128x128xf32, #tpu.memory_space<vmem>> -> memref<128x128xf32, #tpu.memory_space<vmem>>
          tpu.wait_dma2 semaphore(%dma_wait3A_275 : memref<!tpu.dma_semaphore, #tpu.memory_space<semaphore_mem>>) src(%dma_wait3A_281 : memref<128x128xf32, #tpu.memory_space<vmem>>) dst(%dma_wait3A_277 : memref<128x128xf32, #tpu.memory_space<hbm>>)
          "tpu.trace_stop"() : () -> ()
        } else {
        }
        %and3A_244 = arith.constant true
        %and3A_245 = arith.andi %and3A_240, %and3A_244 : i1
        %add3A_246 = arith.constant 1 : i32
        %add3A_247 = arith.addi %scan3A_125, %add3A_246 : i32
        %select_n3A_248 = arith.select %and3A_245, %add3A_247, %scan3A_125 : i32
        %ne3A_249 = arith.cmpi ne, %add3A_131, %add3A_149 : i32
        %or3A_250 = arith.constant false
        %or3A_251 = arith.ori %or3A_250, %ne3A_249 : i1
        %or3A_252 = arith.ori %or3A_251, %eq3A_130 : i1
        %add3A_253 = arith.constant 1 : i32
        %add3A_254 = arith.addi %scan3A_123, %add3A_253 : i32
        %select_n3A_255 = arith.select %or3A_252, %add3A_254, %scan3A_123 : i32
        %add3A_256 = arith.constant 1 : i32
        %add3A_257 = arith.addi %scan3A_126, %add3A_256 : i32
        %select_n3A_258 = arith.constant true
        %select_n3A_259 = arith.select %select_n3A_258, %add3A_257, %scan3A_126 : i32
        %eq3A_260 = arith.constant 64 : i32
        %eq3A_261 = arith.cmpi eq, %select_n3A_259, %eq3A_260 : i32
        %select_n3A_262 = arith.constant 0 : i32
        %select_n3A_263 = arith.select %eq3A_261, %select_n3A_262, %select_n3A_259 : i32
        scf.yield %select_n3A_167, %select_n3A_255, %select_n3A_221, %select_n3A_248, %select_n3A_263 : i32, i32, i32, i32, i32
      }
      %scan3A_68 = arith.constant 64 : i32
      %sub3A = arith.constant 1 : i32
      %sub3A_69 = arith.subi %scan3A_67#4, %sub3A : i32
      %select_n3A_70 = arith.constant true
      %select_n3A_71 = arith.select %select_n3A_70, %sub3A_69, %scan3A_67#4 : i32
      %eq3A_72 = arith.constant -1 : i32
      %eq3A_73 = arith.cmpi eq, %select_n3A_71, %eq3A_72 : i32
      %select_n3A_74 = arith.constant 63 : i32
      %select_n3A_75 = arith.select %eq3A_73, %select_n3A_74, %select_n3A_71 : i32
      %add3A_76 = arith.addi %select_n3A_75, %mul3A_6 : i32
      %sub3A_77 = arith.constant 1 : i32
      %sub3A_78 = arith.subi %select_n3A_75, %sub3A_77 : i32
      %select_n3A_79 = arith.constant true
      %select_n3A_80 = arith.select %select_n3A_79, %sub3A_78, %select_n3A_75 : i32
      %eq3A_81 = arith.constant -1 : i32
      %eq3A_82 = arith.cmpi eq, %select_n3A_80, %eq3A_81 : i32
      %select_n3A_83 = arith.constant 63 : i32
      %select_n3A_84 = arith.select %eq3A_82, %select_n3A_83, %select_n3A_80 : i32
      %add3A_85 = arith.addi %select_n3A_84, %mul3A_6 : i32
      %add3A_86 = arith.constant 1 : i32
      %add3A_87 = arith.addi %select_n3A_75, %add3A_86 : i32
      %select_n3A_88 = arith.constant true
      %select_n3A_89 = arith.select %select_n3A_88, %add3A_87, %select_n3A_75 : i32
      %eq3A_90 = arith.constant 64 : i32
      %eq3A_91 = arith.cmpi eq, %select_n3A_89, %eq3A_90 : i32
      %select_n3A_92 = arith.constant 0 : i32
      %select_n3A_93 = arith.select %eq3A_91, %select_n3A_92, %select_n3A_89 : i32
      %add3A_94 = arith.addi %select_n3A_93, %mul3A_6 : i32
      %add3A_95 = arith.constant 1 : i32
      %add3A_96 = arith.addi %select_n3A_93, %add3A_95 : i32
      %select_n3A_97 = arith.constant true
      %select_n3A_98 = arith.select %select_n3A_97, %add3A_96, %select_n3A_93 : i32
      %eq3A_99 = arith.constant 64 : i32
      %eq3A_100 = arith.cmpi eq, %select_n3A_98, %eq3A_99 : i32
      %select_n3A_101 = arith.constant 0 : i32
      %select_n3A_102 = arith.select %eq3A_100, %select_n3A_101, %select_n3A_98 : i32
      %add3A_103 = arith.addi %select_n3A_102, %mul3A_6 : i32
      "tpu.trace_start"() <{level = 10 : i32, message = "ep_finalize"}> : () -> ()
      %rem3A_104 = arith.constant 2 : i32
      %rem3A_105 = arith.remui %scan3A_67#3, %rem3A_104 : i32
      %mul3A_106 = arith.constant 128 : i32
      %mul3A_107 = arith.muli %mul3A_106, %add3A_76 : i32
      %dma_wait3A = arith.constant 0 : i32
      %dma_wait3A_108 = arith.constant 0 : i32
      %dma_wait3A_109 = tpu.memref_slice %run_scoped3A_8[%rem3A_105, %dma_wait3A, %dma_wait3A_108] : memref<2x128x128xf32, #tpu.memory_space<vmem>> -> memref<1x128x128xf32, #tpu.memory_space<vmem>>
      %dma_wait3A_110 = tpu.memref_squeeze %dma_wait3A_109 : memref<1x128x128xf32, #tpu.memory_space<vmem>> -> memref<128x128xf32, #tpu.memory_space<vmem>>
      %dma_wait3A_111 = arith.constant 0 : i32
      %dma_wait3A_112 = tpu.memref_slice %arg4[%mul3A_107, %dma_wait3A_111] : memref<262144x128xf32, #tpu.memory_space<hbm>> -> memref<128x128xf32, #tpu.memory_space<hbm>>
      %dma_wait3A_113 = tpu.memref_slice %run_scoped3A_9[%rem3A_105] : memref<2x!tpu.dma_semaphore, #tpu.memory_space<semaphore_mem>> -> memref<1x!tpu.dma_semaphore, #tpu.memory_space<semaphore_mem>>
      %dma_wait3A_114 = tpu.memref_squeeze %dma_wait3A_113 : memref<1x!tpu.dma_semaphore, #tpu.memory_space<semaphore_mem>> -> memref<!tpu.dma_semaphore, #tpu.memory_space<semaphore_mem>>
      %dma_wait3A_115 = arith.constant 0 : i32
      %dma_wait3A_116 = tpu.memref_slice %arg4[%mul3A_107, %dma_wait3A_115] : memref<262144x128xf32, #tpu.memory_space<hbm>> -> memref<128x128xf32, #tpu.memory_space<hbm>>
      %dma_wait3A_117 = arith.constant 0 : i32
      %dma_wait3A_118 = arith.constant 0 : i32
      %dma_wait3A_119 = tpu.memref_slice %run_scoped3A_8[%rem3A_105, %dma_wait3A_117, %dma_wait3A_118] : memref<2x128x128xf32, #tpu.memory_space<vmem>> -> memref<1x128x128xf32, #tpu.memory_space<vmem>>
      %dma_wait3A_120 = tpu.memref_squeeze %dma_wait3A_119 : memref<1x128x128xf32, #tpu.memory_space<vmem>> -> memref<128x128xf32, #tpu.memory_space<vmem>>
      tpu.wait_dma2 semaphore(%dma_wait3A_114 : memref<!tpu.dma_semaphore, #tpu.memory_space<semaphore_mem>>) src(%dma_wait3A_120 : memref<128x128xf32, #tpu.memory_space<vmem>>) dst(%dma_wait3A_116 : memref<128x128xf32, #tpu.memory_space<hbm>>)
      "tpu.trace_stop"() : () -> ()
      tpu.yield
    }) : () -> ()
    return
  }
}

#map = affine_map<(d0, d1) -> (0, 0)>
module attributes {stable_mosaic.version = 14 : i64} {
  func.func @k(%arg0: i32, %arg1: i32, %arg2: memref<32768x128xf32, #tpu.memory_space<hbm>>, %arg3: memref<1x8192xi32, #tpu.memory_space<hbm>>, %arg4: memref<8192x128xf32, #tpu.memory_space<hbm>>) attributes {dimension_semantics = [#tpu.dimension_semantics<core_parallel>, #tpu.dimension_semantics<subcore_parallel>], iteration_bounds = array<i64: 2, 16>, scalar_prefetch = 0 : i64, scratch_operands = 0 : i64, tpu.core_type = #tpu.core_type<sc_vector_subcore>, window_params = [{transform_indices = #map}, {transform_indices = #map}, {transform_indices = #map}]} {
    %mul3A = arith.constant 1 : i32
    %mul3A_0 = arith.muli %arg1, %mul3A : i32
    %add3A = arith.constant 0 : i32
    %add3A_1 = arith.addi %add3A, %mul3A_0 : i32
    %mul3A_2 = arith.constant 16 : i32
    %mul3A_3 = arith.muli %arg0, %mul3A_2 : i32
    %add3A_4 = arith.addi %add3A_1, %mul3A_3 : i32
    %mul3A_5 = arith.constant 2 : i32
    %mul3A_6 = arith.muli %add3A_4, %mul3A_5 : i32
    "tpu.region"() ({
      %run_scoped3A = memref.alloca() : memref<2x1x128xi32, #tpu.memory_space<vmem>>
      %run_scoped3A_7 = tpu.sem_alloc : memref<2x!tpu.dma_semaphore, #tpu.memory_space<semaphore_mem>>
      %run_scoped3A_8 = memref.alloca() : memref<2x128x128xf32, #tpu.memory_space<vmem>>
      %run_scoped3A_9 = tpu.sem_alloc : memref<2x!tpu.dma_semaphore, #tpu.memory_space<semaphore_mem>>
      %add3A_10 = arith.constant 0 : i32
      %add3A_11 = arith.addi %add3A_10, %mul3A_6 : i32
      %select_n3A = arith.constant true
      %select_n3A_12 = arith.constant 0 : i32
      %select_n3A_13 = arith.constant -1 : i32
      %select_n3A_14 = arith.select %select_n3A, %select_n3A_13, %select_n3A_12 : i32
      %eq3A = arith.constant -1 : i32
      %eq3A_15 = arith.cmpi eq, %select_n3A_14, %eq3A : i32
      %select_n3A_16 = arith.constant 1 : i32
      %select_n3A_17 = arith.select %eq3A_15, %select_n3A_16, %select_n3A_14 : i32
      %add3A_18 = arith.addi %select_n3A_17, %mul3A_6 : i32
      %select_n3A_19 = arith.constant true
      %select_n3A_20 = arith.constant 0 : i32
      %select_n3A_21 = arith.constant 1 : i32
      %select_n3A_22 = arith.select %select_n3A_19, %select_n3A_21, %select_n3A_20 : i32
      %eq3A_23 = arith.constant 2 : i32
      %eq3A_24 = arith.cmpi eq, %select_n3A_22, %eq3A_23 : i32
      %select_n3A_25 = arith.constant 0 : i32
      %select_n3A_26 = arith.select %eq3A_24, %select_n3A_25, %select_n3A_22 : i32
      %add3A_27 = arith.addi %select_n3A_26, %mul3A_6 : i32
      %add3A_28 = arith.constant 1 : i32
      %add3A_29 = arith.addi %select_n3A_26, %add3A_28 : i32
      %select_n3A_30 = arith.constant true
      %select_n3A_31 = arith.select %select_n3A_30, %add3A_29, %select_n3A_26 : i32
      %eq3A_32 = arith.constant 2 : i32
      %eq3A_33 = arith.cmpi eq, %select_n3A_31, %eq3A_32 : i32
      %select_n3A_34 = arith.constant 0 : i32
      %select_n3A_35 = arith.select %eq3A_33, %select_n3A_34, %select_n3A_31 : i32
      %add3A_36 = arith.addi %select_n3A_35, %mul3A_6 : i32
      "tpu.trace_start"() <{level = 10 : i32, message = "ep_initialize_0"}> : () -> ()
      %rem3A = arith.constant 0 : i32
      %rem3A_37 = arith.constant 2 : i32
      %rem3A_38 = arith.remui %rem3A, %rem3A_37 : i32
      %mul3A_39 = arith.constant 128 : i32
      %mul3A_40 = arith.muli %mul3A_39, %add3A_11 : i32
      %dma_start3A = arith.constant 0 : i32
      %dma_start3A_41 = arith.constant 0 : i32
      %dma_start3A_42 = tpu.memref_slice %run_scoped3A[%rem3A_38, %dma_start3A, %dma_start3A_41] : memref<2x1x128xi32, #tpu.memory_space<vmem>> -> memref<1x1x128xi32, #tpu.memory_space<vmem>>
      %dma_start3A_43 = tpu.memref_squeeze %dma_start3A_42 : memref<1x1x128xi32, #tpu.memory_space<vmem>> -> memref<1x128xi32, #tpu.memory_space<vmem>>
      %dma_start3A_44 = arith.constant 0 : i32
      %dma_start3A_45 = tpu.memref_slice %arg3[%dma_start3A_44, %mul3A_40] : memref<1x8192xi32, #tpu.memory_space<hbm>> -> memref<1x128xi32, #tpu.memory_space<hbm>>
      %dma_start3A_46 = tpu.memref_slice %run_scoped3A_7[%rem3A_38] : memref<2x!tpu.dma_semaphore, #tpu.memory_space<semaphore_mem>> -> memref<1x!tpu.dma_semaphore, #tpu.memory_space<semaphore_mem>>
      %dma_start3A_47 = tpu.memref_squeeze %dma_start3A_46 : memref<1x!tpu.dma_semaphore, #tpu.memory_space<semaphore_mem>> -> memref<!tpu.dma_semaphore, #tpu.memory_space<semaphore_mem>>
      %dma_start3A_48 = arith.constant 0 : i32
      %dma_start3A_49 = arith.constant 0 : i32
      %dma_start3A_50 = tpu.memref_slice %run_scoped3A[%rem3A_38, %dma_start3A_48, %dma_start3A_49] : memref<2x1x128xi32, #tpu.memory_space<vmem>> -> memref<1x1x128xi32, #tpu.memory_space<vmem>>
      %dma_start3A_51 = tpu.memref_squeeze %dma_start3A_50 : memref<1x1x128xi32, #tpu.memory_space<vmem>> -> memref<1x128xi32, #tpu.memory_space<vmem>>
      %dma_start3A_52 = arith.constant 0 : i32
      %dma_start3A_53 = tpu.memref_slice %arg3[%dma_start3A_52, %mul3A_40] : memref<1x8192xi32, #tpu.memory_space<hbm>> -> memref<1x128xi32, #tpu.memory_space<hbm>>
      tpu.enqueue_dma source(%dma_start3A_53 : memref<1x128xi32, #tpu.memory_space<hbm>>) target(%dma_start3A_51 : memref<1x128xi32, #tpu.memory_space<vmem>>) target_semaphore(%dma_start3A_47 : memref<!tpu.dma_semaphore, #tpu.memory_space<semaphore_mem>>)
      %add3A_54 = arith.constant 0 : i32
      %add3A_55 = arith.constant 1 : i32
      %add3A_56 = arith.addi %add3A_54, %add3A_55 : i32
      %select_n3A_57 = arith.constant true
      %select_n3A_58 = arith.constant 0 : i32
      %select_n3A_59 = arith.select %select_n3A_57, %add3A_56, %select_n3A_58 : i32
      "tpu.trace_stop"() : () -> ()
      %scan3A = arith.constant 0 : i32
      %scan3A_60 = arith.constant 0 : i32
      %scan3A_61 = arith.constant 0 : i32
      %scan3A_62 = arith.constant 0 : i32
      %scan3A_63 = arith.constant 0 : i32
      %scan3A_64 = arith.constant 2 : i32
      %scan3A_65 = arith.addi %scan3A_63, %scan3A_64 : i32
      %scan3A_66 = arith.constant 1 : i32
      %scan3A_67:5 = scf.for %scan3A_121 = %scan3A_63 to %scan3A_65 step %scan3A_66 iter_args(%scan3A_122 = %select_n3A_59, %scan3A_123 = %scan3A, %scan3A_124 = %scan3A_60, %scan3A_125 = %scan3A_61, %scan3A_126 = %scan3A_62) -> (i32, i32, i32, i32, i32)  : i32 {
        %eq3A_127 = arith.constant 0 : i32
        %eq3A_128 = arith.cmpi eq, %scan3A_121, %eq3A_127 : i32
        %eq3A_129 = arith.constant 1 : i32
        %eq3A_130 = arith.cmpi eq, %scan3A_121, %eq3A_129 : i32
        %add3A_131 = arith.addi %scan3A_126, %mul3A_6 : i32
        %sub3A_132 = arith.constant 1 : i32
        %sub3A_133 = arith.subi %scan3A_126, %sub3A_132 : i32
        %select_n3A_134 = arith.constant true
        %select_n3A_135 = arith.select %select_n3A_134, %sub3A_133, %scan3A_126 : i32
        %eq3A_136 = arith.constant -1 : i32
        %eq3A_137 = arith.cmpi eq, %select_n3A_135, %eq3A_136 : i32
        %select_n3A_138 = arith.constant 1 : i32
        %select_n3A_139 = arith.select %eq3A_137, %select_n3A_138, %select_n3A_135 : i32
        %add3A_140 = arith.addi %select_n3A_139, %mul3A_6 : i32
        %add3A_141 = arith.constant 1 : i32
        %add3A_142 = arith.addi %scan3A_126, %add3A_141 : i32
        %select_n3A_143 = arith.constant true
        %select_n3A_144 = arith.select %select_n3A_143, %add3A_142, %scan3A_126 : i32
        %eq3A_145 = arith.constant 2 : i32
        %eq3A_146 = arith.cmpi eq, %select_n3A_144, %eq3A_145 : i32
        %select_n3A_147 = arith.constant 0 : i32
        %select_n3A_148 = arith.select %eq3A_146, %select_n3A_147, %select_n3A_144 : i32
        %add3A_149 = arith.addi %select_n3A_148, %mul3A_6 : i32
        %add3A_150 = arith.constant 1 : i32
        %add3A_151 = arith.addi %select_n3A_148, %add3A_150 : i32
        %select_n3A_152 = arith.constant true
        %select_n3A_153 = arith.select %select_n3A_152, %add3A_151, %select_n3A_148 : i32
        %eq3A_154 = arith.constant 2 : i32
        %eq3A_155 = arith.cmpi eq, %select_n3A_153, %eq3A_154 : i32
        %select_n3A_156 = arith.constant 0 : i32
        %select_n3A_157 = arith.select %eq3A_155, %select_n3A_156, %select_n3A_153 : i32
        %add3A_158 = arith.addi %select_n3A_157, %mul3A_6 : i32
        %ne3A = arith.cmpi ne, %add3A_131, %add3A_149 : i32
        %or3A = arith.constant false
        %or3A_159 = arith.ori %or3A, %ne3A : i1
        %ge3A = arith.constant 1 : i32
        %ge3A_160 = arith.cmpi sge, %scan3A_121, %ge3A : i32
        %not3A = arith.constant true
        %not3A_161 = arith.xori %ge3A_160, %not3A : i1
        %and3A = arith.andi %or3A_159, %not3A_161 : i1
        %convert_element_type3A = arith.extui %and3A : i1 to i32
        %cond3A = arith.constant 0 : i32
        %cond3A_162 = arith.cmpi ne, %convert_element_type3A, %cond3A : i32
        scf.if %cond3A_162 {
          "tpu.trace_start"() <{level = 10 : i32, message = "ep_copy_in"}> : () -> ()
          %rem3A_264 = arith.constant 2 : i32
          %rem3A_265 = arith.remui %scan3A_122, %rem3A_264 : i32
          %mul3A_266 = arith.constant 128 : i32
          %mul3A_267 = arith.muli %mul3A_266, %add3A_149 : i32
          %dma_start3A_268 = arith.constant 0 : i32
          %dma_start3A_269 = arith.constant 0 : i32
          %dma_start3A_270 = tpu.memref_slice %run_scoped3A[%rem3A_265, %dma_start3A_268, %dma_start3A_269] : memref<2x1x128xi32, #tpu.memory_space<vmem>> -> memref<1x1x128xi32, #tpu.memory_space<vmem>>
          %dma_start3A_271 = tpu.memref_squeeze %dma_start3A_270 : memref<1x1x128xi32, #tpu.memory_space<vmem>> -> memref<1x128xi32, #tpu.memory_space<vmem>>
          %dma_start3A_272 = arith.constant 0 : i32
          %dma_start3A_273 = tpu.memref_slice %arg3[%dma_start3A_272, %mul3A_267] : memref<1x8192xi32, #tpu.memory_space<hbm>> -> memref<1x128xi32, #tpu.memory_space<hbm>>
          %dma_start3A_274 = tpu.memref_slice %run_scoped3A_7[%rem3A_265] : memref<2x!tpu.dma_semaphore, #tpu.memory_space<semaphore_mem>> -> memref<1x!tpu.dma_semaphore, #tpu.memory_space<semaphore_mem>>
          %dma_start3A_275 = tpu.memref_squeeze %dma_start3A_274 : memref<1x!tpu.dma_semaphore, #tpu.memory_space<semaphore_mem>> -> memref<!tpu.dma_semaphore, #tpu.memory_space<semaphore_mem>>
          %dma_start3A_276 = arith.constant 0 : i32
          %dma_start3A_277 = arith.constant 0 : i32
          %dma_start3A_278 = tpu.memref_slice %run_scoped3A[%rem3A_265, %dma_start3A_276, %dma_start3A_277] : memref<2x1x128xi32, #tpu.memory_space<vmem>> -> memref<1x1x128xi32, #tpu.memory_space<vmem>>
          %dma_start3A_279 = tpu.memref_squeeze %dma_start3A_278 : memref<1x1x128xi32, #tpu.memory_space<vmem>> -> memref<1x128xi32, #tpu.memory_space<vmem>>
          %dma_start3A_280 = arith.constant 0 : i32
          %dma_start3A_281 = tpu.memref_slice %arg3[%dma_start3A_280, %mul3A_267] : memref<1x8192xi32, #tpu.memory_space<hbm>> -> memref<1x128xi32, #tpu.memory_space<hbm>>
          tpu.enqueue_dma source(%dma_start3A_281 : memref<1x128xi32, #tpu.memory_space<hbm>>) target(%dma_start3A_279 : memref<1x128xi32, #tpu.memory_space<vmem>>) target_semaphore(%dma_start3A_275 : memref<!tpu.dma_semaphore, #tpu.memory_space<semaphore_mem>>)
          "tpu.trace_stop"() : () -> ()
        } else {
        }
        %and3A_163 = arith.constant true
        %and3A_164 = arith.andi %and3A, %and3A_163 : i1
        %add3A_165 = arith.constant 1 : i32
        %add3A_166 = arith.addi %scan3A_122, %add3A_165 : i32
        %select_n3A_167 = arith.select %and3A_164, %add3A_166, %scan3A_122 : i32
        %ne3A_168 = arith.cmpi ne, %add3A_131, %add3A_149 : i32
        %or3A_169 = arith.constant false
        %or3A_170 = arith.ori %or3A_169, %ne3A_168 : i1
        %or3A_171 = arith.constant false
        %or3A_172 = arith.ori %or3A_170, %or3A_171 : i1
        %ge3A_173 = arith.constant 1 : i32
        %ge3A_174 = arith.cmpi sge, %scan3A_121, %ge3A_173 : i32
        %not3A_175 = arith.constant true
        %not3A_176 = arith.xori %ge3A_174, %not3A_175 : i1
        %and3A_177 = arith.andi %or3A_172, %not3A_176 : i1
        %ne3A_178 = arith.cmpi ne, %add3A_131, %add3A_140 : i32
        %or3A_179 = arith.constant false
        %or3A_180 = arith.ori %or3A_179, %ne3A_178 : i1
        %or3A_181 = arith.ori %or3A_180, %eq3A_128 : i1
        %convert_element_type3A_182 = arith.extui %or3A_181 : i1 to i32
        %cond3A_183 = arith.constant 0 : i32
        %cond3A_184 = arith.cmpi ne, %convert_element_type3A_182, %cond3A_183 : i32
        scf.if %cond3A_184 {
          "tpu.trace_start"() <{level = 10 : i32, message = "ep_wait_in"}> : () -> ()
          %mul3A_264 = arith.constant 128 : i32
          %mul3A_265 = arith.muli %mul3A_264, %add3A_131 : i32
          %rem3A_266 = arith.constant 2 : i32
          %rem3A_267 = arith.remui %scan3A_123, %rem3A_266 : i32
          %dma_wait3A_268 = arith.constant 0 : i32
          %dma_wait3A_269 = arith.constant 0 : i32
          %dma_wait3A_270 = tpu.memref_slice %run_scoped3A[%rem3A_267, %dma_wait3A_268, %dma_wait3A_269] : memref<2x1x128xi32, #tpu.memory_space<vmem>> -> memref<1x1x128xi32, #tpu.memory_space<vmem>>
          %dma_wait3A_271 = tpu.memref_squeeze %dma_wait3A_270 : memref<1x1x128xi32, #tpu.memory_space<vmem>> -> memref<1x128xi32, #tpu.memory_space<vmem>>
          %dma_wait3A_272 = arith.constant 0 : i32
          %dma_wait3A_273 = tpu.memref_slice %arg3[%dma_wait3A_272, %mul3A_265] : memref<1x8192xi32, #tpu.memory_space<hbm>> -> memref<1x128xi32, #tpu.memory_space<hbm>>
          %dma_wait3A_274 = tpu.memref_slice %run_scoped3A_7[%rem3A_267] : memref<2x!tpu.dma_semaphore, #tpu.memory_space<semaphore_mem>> -> memref<1x!tpu.dma_semaphore, #tpu.memory_space<semaphore_mem>>
          %dma_wait3A_275 = tpu.memref_squeeze %dma_wait3A_274 : memref<1x!tpu.dma_semaphore, #tpu.memory_space<semaphore_mem>> -> memref<!tpu.dma_semaphore, #tpu.memory_space<semaphore_mem>>
          %dma_wait3A_276 = arith.constant 0 : i32
          %dma_wait3A_277 = arith.constant 0 : i32
          %dma_wait3A_278 = tpu.memref_slice %run_scoped3A[%rem3A_267, %dma_wait3A_276, %dma_wait3A_277] : memref<2x1x128xi32, #tpu.memory_space<vmem>> -> memref<1x1x128xi32, #tpu.memory_space<vmem>>
          %dma_wait3A_279 = tpu.memref_squeeze %dma_wait3A_278 : memref<1x1x128xi32, #tpu.memory_space<vmem>> -> memref<1x128xi32, #tpu.memory_space<vmem>>
          %dma_wait3A_280 = arith.constant 0 : i32
          %dma_wait3A_281 = tpu.memref_slice %arg3[%dma_wait3A_280, %mul3A_265] : memref<1x8192xi32, #tpu.memory_space<hbm>> -> memref<1x128xi32, #tpu.memory_space<hbm>>
          tpu.wait_dma2 semaphore(%dma_wait3A_275 : memref<!tpu.dma_semaphore, #tpu.memory_space<semaphore_mem>>) src(%dma_wait3A_281 : memref<1x128xi32, #tpu.memory_space<hbm>>) dst(%dma_wait3A_279 : memref<1x128xi32, #tpu.memory_space<vmem>>)
          "tpu.trace_stop"() : () -> ()
        } else {
        }
        %ne3A_185 = arith.cmpi ne, %add3A_131, %add3A_140 : i32
        %or3A_186 = arith.constant false
        %or3A_187 = arith.ori %or3A_186, %ne3A_185 : i1
        %or3A_188 = arith.constant false
        %or3A_189 = arith.ori %or3A_187, %or3A_188 : i1
        %or3A_190 = arith.ori %or3A_189, %eq3A_128 : i1
        %convert_element_type3A_191 = arith.extui %or3A_190 : i1 to i32
        %cond3A_192 = arith.constant 0 : i32
        %cond3A_193 = arith.cmpi ne, %convert_element_type3A_191, %cond3A_192 : i32
        scf.if %cond3A_193 {
        } else {
        }
        %rem3A_194 = arith.constant 2 : i32
        %rem3A_195 = arith.remui %scan3A_123, %rem3A_194 : i32
        %rem3A_196 = arith.constant 2 : i32
        %rem3A_197 = arith.remui %scan3A_124, %rem3A_196 : i32
        %run_scoped3A_198 = arith.constant 0 : i32
        "tpu.trace_start"() <{level = 10 : i32, message = "ep_run_kernel"}> : () -> ()
        "tpu.region"() ({
          %run_scoped3A_264 = tpu.sem_alloc : memref<!tpu.dma_semaphore, #tpu.memory_space<semaphore_mem>>
          %dma_start3A_265 = arith.constant 0 : i32
          %dma_start3A_266 = arith.constant 0 : i32
          %dma_start3A_267 = tpu.memref_slice %run_scoped3A_8[%rem3A_197, %dma_start3A_265, %dma_start3A_266] : memref<2x128x128xf32, #tpu.memory_space<vmem>> -> memref<1x128x128xf32, #tpu.memory_space<vmem>>
          %dma_start3A_268 = tpu.memref_squeeze %dma_start3A_267 : memref<1x128x128xf32, #tpu.memory_space<vmem>> -> memref<128x128xf32, #tpu.memory_space<vmem>>
          %dma_start3A_269 = arith.constant 0 : i32
          %dma_start3A_270 = arith.constant 0 : i32
          %dma_start3A_271 = tpu.memref_slice %run_scoped3A[%rem3A_195, %dma_start3A_269, %dma_start3A_270] : memref<2x1x128xi32, #tpu.memory_space<vmem>> -> memref<1x1x128xi32, #tpu.memory_space<vmem>>
          %dma_start3A_272 = tpu.memref_squeeze %dma_start3A_271 : memref<1x1x128xi32, #tpu.memory_space<vmem>> -> memref<1x128xi32, #tpu.memory_space<vmem>>
          %dma_start3A_273 = arith.constant 0 : i32
          %dma_start3A_274 = tpu.memref_slice %dma_start3A_272[%run_scoped3A_198, %dma_start3A_273] : memref<1x128xi32, #tpu.memory_space<vmem>> -> memref<1x128xi32, #tpu.memory_space<vmem>>
          %dma_start3A_275 = tpu.memref_squeeze %dma_start3A_274 : memref<1x128xi32, #tpu.memory_space<vmem>> -> memref<128xi32, #tpu.memory_space<vmem>>
          %dma_start3A_276 = arith.constant 0 : i32
          %dma_start3A_277 = arith.constant 0 : i32
          %dma_start3A_278 = tpu.memref_slice %arg2[%dma_start3A_276, %dma_start3A_277] : memref<32768x128xf32, #tpu.memory_space<hbm>> -> memref<32768x128xf32, #tpu.memory_space<hbm>>
          tpu.enqueue_indirect_dma source(%dma_start3A_278 : memref<32768x128xf32, #tpu.memory_space<hbm>>) target(%dma_start3A_268 : memref<128x128xf32, #tpu.memory_space<vmem>>) offsets(%dma_start3A_275 : memref<128xi32, #tpu.memory_space<vmem>>) semaphore(%run_scoped3A_264 : memref<!tpu.dma_semaphore, #tpu.memory_space<semaphore_mem>>)
          %dma_wait3A_279 = arith.constant 0 : i32
          %dma_wait3A_280 = arith.constant 0 : i32
          %dma_wait3A_281 = tpu.memref_slice %run_scoped3A_8[%rem3A_197, %dma_wait3A_279, %dma_wait3A_280] : memref<2x128x128xf32, #tpu.memory_space<vmem>> -> memref<1x128x128xf32, #tpu.memory_space<vmem>>
          %dma_wait3A_282 = tpu.memref_squeeze %dma_wait3A_281 : memref<1x128x128xf32, #tpu.memory_space<vmem>> -> memref<128x128xf32, #tpu.memory_space<vmem>>
          %dma_wait3A_283 = arith.constant 0 : i32
          %dma_wait3A_284 = arith.constant 0 : i32
          %dma_wait3A_285 = tpu.memref_slice %run_scoped3A[%rem3A_195, %dma_wait3A_283, %dma_wait3A_284] : memref<2x1x128xi32, #tpu.memory_space<vmem>> -> memref<1x1x128xi32, #tpu.memory_space<vmem>>
          %dma_wait3A_286 = tpu.memref_squeeze %dma_wait3A_285 : memref<1x1x128xi32, #tpu.memory_space<vmem>> -> memref<1x128xi32, #tpu.memory_space<vmem>>
          %dma_wait3A_287 = arith.constant 0 : i32
          %dma_wait3A_288 = tpu.memref_slice %dma_wait3A_286[%run_scoped3A_198, %dma_wait3A_287] : memref<1x128xi32, #tpu.memory_space<vmem>> -> memref<1x128xi32, #tpu.memory_space<vmem>>
          %dma_wait3A_289 = tpu.memref_squeeze %dma_wait3A_288 : memref<1x128xi32, #tpu.memory_space<vmem>> -> memref<128xi32, #tpu.memory_space<vmem>>
          %dma_wait3A_290 = arith.constant 0 : i32
          %dma_wait3A_291 = arith.constant 0 : i32
          %dma_wait3A_292 = tpu.memref_slice %arg2[%dma_wait3A_290, %dma_wait3A_291] : memref<32768x128xf32, #tpu.memory_space<hbm>> -> memref<32768x128xf32, #tpu.memory_space<hbm>>
          tpu.wait_indirect_dma semaphore(%run_scoped3A_264 : memref<!tpu.dma_semaphore, #tpu.memory_space<semaphore_mem>>) src(%dma_wait3A_292 : memref<32768x128xf32, #tpu.memory_space<hbm>>) dst(%dma_wait3A_282 : memref<128x128xf32, #tpu.memory_space<vmem>>)
          tpu.yield
        }) : () -> ()
        "tpu.trace_stop"() : () -> ()
        %ne3A_199 = arith.cmpi ne, %add3A_131, %add3A_149 : i32
        %or3A_200 = arith.constant false
        %or3A_201 = arith.ori %or3A_200, %ne3A_199 : i1
        %or3A_202 = arith.ori %or3A_201, %eq3A_130 : i1
        %convert_element_type3A_203 = arith.extui %or3A_202 : i1 to i32
        %cond3A_204 = arith.constant 0 : i32
        %cond3A_205 = arith.cmpi ne, %convert_element_type3A_203, %cond3A_204 : i32
        scf.if %cond3A_205 {
        } else {
        }
        %and3A_206 = arith.constant false
        %and3A_207 = arith.andi %or3A_202, %and3A_206 : i1
        %ne3A_208 = arith.cmpi ne, %add3A_131, %add3A_149 : i32
        %or3A_209 = arith.constant false
        %or3A_210 = arith.ori %or3A_209, %ne3A_208 : i1
        %or3A_211 = arith.constant false
        %or3A_212 = arith.ori %or3A_210, %or3A_211 : i1
        %or3A_213 = arith.ori %or3A_212, %eq3A_130 : i1
        %convert_element_type3A_214 = arith.extui %or3A_213 : i1 to i32
        %cond3A_215 = arith.constant 0 : i32
        %cond3A_216 = arith.cmpi ne, %convert_element_type3A_214, %cond3A_215 : i32
        scf.if %cond3A_216 {
          "tpu.trace_start"() <{level = 10 : i32, message = "ep_copy_out"}> : () -> ()
          %rem3A_264 = arith.constant 2 : i32
          %rem3A_265 = arith.remui %scan3A_124, %rem3A_264 : i32
          %mul3A_266 = arith.constant 128 : i32
          %mul3A_267 = arith.muli %mul3A_266, %add3A_131 : i32
          %dma_start3A_268 = arith.constant 0 : i32
          %dma_start3A_269 = arith.constant 0 : i32
          %dma_start3A_270 = tpu.memref_slice %run_scoped3A_8[%rem3A_265, %dma_start3A_268, %dma_start3A_269] : memref<2x128x128xf32, #tpu.memory_space<vmem>> -> memref<1x128x128xf32, #tpu.memory_space<vmem>>
          %dma_start3A_271 = tpu.memref_squeeze %dma_start3A_270 : memref<1x128x128xf32, #tpu.memory_space<vmem>> -> memref<128x128xf32, #tpu.memory_space<vmem>>
          %dma_start3A_272 = arith.constant 0 : i32
          %dma_start3A_273 = tpu.memref_slice %arg4[%mul3A_267, %dma_start3A_272] : memref<8192x128xf32, #tpu.memory_space<hbm>> -> memref<128x128xf32, #tpu.memory_space<hbm>>
          %dma_start3A_274 = tpu.memref_slice %run_scoped3A_9[%rem3A_265] : memref<2x!tpu.dma_semaphore, #tpu.memory_space<semaphore_mem>> -> memref<1x!tpu.dma_semaphore, #tpu.memory_space<semaphore_mem>>
          %dma_start3A_275 = tpu.memref_squeeze %dma_start3A_274 : memref<1x!tpu.dma_semaphore, #tpu.memory_space<semaphore_mem>> -> memref<!tpu.dma_semaphore, #tpu.memory_space<semaphore_mem>>
          %dma_start3A_276 = arith.constant 0 : i32
          %dma_start3A_277 = tpu.memref_slice %arg4[%mul3A_267, %dma_start3A_276] : memref<8192x128xf32, #tpu.memory_space<hbm>> -> memref<128x128xf32, #tpu.memory_space<hbm>>
          %dma_start3A_278 = arith.constant 0 : i32
          %dma_start3A_279 = arith.constant 0 : i32
          %dma_start3A_280 = tpu.memref_slice %run_scoped3A_8[%rem3A_265, %dma_start3A_278, %dma_start3A_279] : memref<2x128x128xf32, #tpu.memory_space<vmem>> -> memref<1x128x128xf32, #tpu.memory_space<vmem>>
          %dma_start3A_281 = tpu.memref_squeeze %dma_start3A_280 : memref<1x128x128xf32, #tpu.memory_space<vmem>> -> memref<128x128xf32, #tpu.memory_space<vmem>>
          tpu.enqueue_dma source(%dma_start3A_281 : memref<128x128xf32, #tpu.memory_space<vmem>>) target(%dma_start3A_277 : memref<128x128xf32, #tpu.memory_space<hbm>>) target_semaphore(%dma_start3A_275 : memref<!tpu.dma_semaphore, #tpu.memory_space<semaphore_mem>>)
          "tpu.trace_stop"() : () -> ()
        } else {
        }
        %and3A_217 = arith.constant true
        %and3A_218 = arith.andi %or3A_213, %and3A_217 : i1
        %add3A_219 = arith.constant 1 : i32
        %add3A_220 = arith.addi %scan3A_124, %add3A_219 : i32
        %select_n3A_221 = arith.select %and3A_218, %add3A_220, %scan3A_124 : i32
        %ne3A_222 = arith.cmpi ne, %add3A_131, %add3A_140 : i32
        %or3A_223 = arith.constant false
        %or3A_224 = arith.ori %or3A_223, %ne3A_222 : i1
        %not3A_225 = arith.constant true
        %not3A_226 = arith.xori %eq3A_128, %not3A_225 : i1
        %and3A_227 = arith.andi %or3A_224, %not3A_226 : i1
        %convert_element_type3A_228 = arith.extui %and3A_227 : i1 to i32
        %cond3A_229 = arith.constant 0 : i32
        %cond3A_230 = arith.cmpi ne, %convert_element_type3A_228, %cond3A_229 : i32
        scf.if %cond3A_230 {
        } else {
        }
        %and3A_231 = arith.constant false
        %and3A_232 = arith.andi %and3A_227, %and3A_231 : i1
        %ne3A_233 = arith.cmpi ne, %add3A_131, %add3A_140 : i32
        %or3A_234 = arith.constant false
        %or3A_235 = arith.ori %or3A_234, %ne3A_233 : i1
        %or3A_236 = arith.constant false
        %or3A_237 = arith.ori %or3A_235, %or3A_236 : i1
        %not3A_238 = arith.constant true
        %not3A_239 = arith.xori %eq3A_128, %not3A_238 : i1
        %and3A_240 = arith.andi %or3A_237, %not3A_239 : i1
        %convert_element_type3A_241 = arith.extui %and3A_240 : i1 to i32
        %cond3A_242 = arith.constant 0 : i32
        %cond3A_243 = arith.cmpi ne, %convert_element_type3A_241, %cond3A_242 : i32
        scf.if %cond3A_243 {
          "tpu.trace_start"() <{level = 10 : i32, message = "ep_wait_out"}> : () -> ()
          %rem3A_264 = arith.constant 2 : i32
          %rem3A_265 = arith.remui %scan3A_125, %rem3A_264 : i32
          %mul3A_266 = arith.constant 128 : i32
          %mul3A_267 = arith.muli %mul3A_266, %add3A_140 : i32
          %dma_wait3A_268 = arith.constant 0 : i32
          %dma_wait3A_269 = arith.constant 0 : i32
          %dma_wait3A_270 = tpu.memref_slice %run_scoped3A_8[%rem3A_265, %dma_wait3A_268, %dma_wait3A_269] : memref<2x128x128xf32, #tpu.memory_space<vmem>> -> memref<1x128x128xf32, #tpu.memory_space<vmem>>
          %dma_wait3A_271 = tpu.memref_squeeze %dma_wait3A_270 : memref<1x128x128xf32, #tpu.memory_space<vmem>> -> memref<128x128xf32, #tpu.memory_space<vmem>>
          %dma_wait3A_272 = arith.constant 0 : i32
          %dma_wait3A_273 = tpu.memref_slice %arg4[%mul3A_267, %dma_wait3A_272] : memref<8192x128xf32, #tpu.memory_space<hbm>> -> memref<128x128xf32, #tpu.memory_space<hbm>>
          %dma_wait3A_274 = tpu.memref_slice %run_scoped3A_9[%rem3A_265] : memref<2x!tpu.dma_semaphore, #tpu.memory_space<semaphore_mem>> -> memref<1x!tpu.dma_semaphore, #tpu.memory_space<semaphore_mem>>
          %dma_wait3A_275 = tpu.memref_squeeze %dma_wait3A_274 : memref<1x!tpu.dma_semaphore, #tpu.memory_space<semaphore_mem>> -> memref<!tpu.dma_semaphore, #tpu.memory_space<semaphore_mem>>
          %dma_wait3A_276 = arith.constant 0 : i32
          %dma_wait3A_277 = tpu.memref_slice %arg4[%mul3A_267, %dma_wait3A_276] : memref<8192x128xf32, #tpu.memory_space<hbm>> -> memref<128x128xf32, #tpu.memory_space<hbm>>
          %dma_wait3A_278 = arith.constant 0 : i32
          %dma_wait3A_279 = arith.constant 0 : i32
          %dma_wait3A_280 = tpu.memref_slice %run_scoped3A_8[%rem3A_265, %dma_wait3A_278, %dma_wait3A_279] : memref<2x128x128xf32, #tpu.memory_space<vmem>> -> memref<1x128x128xf32, #tpu.memory_space<vmem>>
          %dma_wait3A_281 = tpu.memref_squeeze %dma_wait3A_280 : memref<1x128x128xf32, #tpu.memory_space<vmem>> -> memref<128x128xf32, #tpu.memory_space<vmem>>
          tpu.wait_dma2 semaphore(%dma_wait3A_275 : memref<!tpu.dma_semaphore, #tpu.memory_space<semaphore_mem>>) src(%dma_wait3A_281 : memref<128x128xf32, #tpu.memory_space<vmem>>) dst(%dma_wait3A_277 : memref<128x128xf32, #tpu.memory_space<hbm>>)
          "tpu.trace_stop"() : () -> ()
        } else {
        }
        %and3A_244 = arith.constant true
        %and3A_245 = arith.andi %and3A_240, %and3A_244 : i1
        %add3A_246 = arith.constant 1 : i32
        %add3A_247 = arith.addi %scan3A_125, %add3A_246 : i32
        %select_n3A_248 = arith.select %and3A_245, %add3A_247, %scan3A_125 : i32
        %ne3A_249 = arith.cmpi ne, %add3A_131, %add3A_149 : i32
        %or3A_250 = arith.constant false
        %or3A_251 = arith.ori %or3A_250, %ne3A_249 : i1
        %or3A_252 = arith.ori %or3A_251, %eq3A_130 : i1
        %add3A_253 = arith.constant 1 : i32
        %add3A_254 = arith.addi %scan3A_123, %add3A_253 : i32
        %select_n3A_255 = arith.select %or3A_252, %add3A_254, %scan3A_123 : i32
        %add3A_256 = arith.constant 1 : i32
        %add3A_257 = arith.addi %scan3A_126, %add3A_256 : i32
        %select_n3A_258 = arith.constant true
        %select_n3A_259 = arith.select %select_n3A_258, %add3A_257, %scan3A_126 : i32
        %eq3A_260 = arith.constant 2 : i32
        %eq3A_261 = arith.cmpi eq, %select_n3A_259, %eq3A_260 : i32
        %select_n3A_262 = arith.constant 0 : i32
        %select_n3A_263 = arith.select %eq3A_261, %select_n3A_262, %select_n3A_259 : i32
        scf.yield %select_n3A_167, %select_n3A_255, %select_n3A_221, %select_n3A_248, %select_n3A_263 : i32, i32, i32, i32, i32
      }
      %scan3A_68 = arith.constant 2 : i32
      %sub3A = arith.constant 1 : i32
      %sub3A_69 = arith.subi %scan3A_67#4, %sub3A : i32
      %select_n3A_70 = arith.constant true
      %select_n3A_71 = arith.select %select_n3A_70, %sub3A_69, %scan3A_67#4 : i32
      %eq3A_72 = arith.constant -1 : i32
      %eq3A_73 = arith.cmpi eq, %select_n3A_71, %eq3A_72 : i32
      %select_n3A_74 = arith.constant 1 : i32
      %select_n3A_75 = arith.select %eq3A_73, %select_n3A_74, %select_n3A_71 : i32
      %add3A_76 = arith.addi %select_n3A_75, %mul3A_6 : i32
      %sub3A_77 = arith.constant 1 : i32
      %sub3A_78 = arith.subi %select_n3A_75, %sub3A_77 : i32
      %select_n3A_79 = arith.constant true
      %select_n3A_80 = arith.select %select_n3A_79, %sub3A_78, %select_n3A_75 : i32
      %eq3A_81 = arith.constant -1 : i32
      %eq3A_82 = arith.cmpi eq, %select_n3A_80, %eq3A_81 : i32
      %select_n3A_83 = arith.constant 1 : i32
      %select_n3A_84 = arith.select %eq3A_82, %select_n3A_83, %select_n3A_80 : i32
      %add3A_85 = arith.addi %select_n3A_84, %mul3A_6 : i32
      %add3A_86 = arith.constant 1 : i32
      %add3A_87 = arith.addi %select_n3A_75, %add3A_86 : i32
      %select_n3A_88 = arith.constant true
      %select_n3A_89 = arith.select %select_n3A_88, %add3A_87, %select_n3A_75 : i32
      %eq3A_90 = arith.constant 2 : i32
      %eq3A_91 = arith.cmpi eq, %select_n3A_89, %eq3A_90 : i32
      %select_n3A_92 = arith.constant 0 : i32
      %select_n3A_93 = arith.select %eq3A_91, %select_n3A_92, %select_n3A_89 : i32
      %add3A_94 = arith.addi %select_n3A_93, %mul3A_6 : i32
      %add3A_95 = arith.constant 1 : i32
      %add3A_96 = arith.addi %select_n3A_93, %add3A_95 : i32
      %select_n3A_97 = arith.constant true
      %select_n3A_98 = arith.select %select_n3A_97, %add3A_96, %select_n3A_93 : i32
      %eq3A_99 = arith.constant 2 : i32
      %eq3A_100 = arith.cmpi eq, %select_n3A_98, %eq3A_99 : i32
      %select_n3A_101 = arith.constant 0 : i32
      %select_n3A_102 = arith.select %eq3A_100, %select_n3A_101, %select_n3A_98 : i32
      %add3A_103 = arith.addi %select_n3A_102, %mul3A_6 : i32
      "tpu.trace_start"() <{level = 10 : i32, message = "ep_finalize"}> : () -> ()
      %rem3A_104 = arith.constant 2 : i32
      %rem3A_105 = arith.remui %scan3A_67#3, %rem3A_104 : i32
      %mul3A_106 = arith.constant 128 : i32
      %mul3A_107 = arith.muli %mul3A_106, %add3A_76 : i32
      %dma_wait3A = arith.constant 0 : i32
      %dma_wait3A_108 = arith.constant 0 : i32
      %dma_wait3A_109 = tpu.memref_slice %run_scoped3A_8[%rem3A_105, %dma_wait3A, %dma_wait3A_108] : memref<2x128x128xf32, #tpu.memory_space<vmem>> -> memref<1x128x128xf32, #tpu.memory_space<vmem>>
      %dma_wait3A_110 = tpu.memref_squeeze %dma_wait3A_109 : memref<1x128x128xf32, #tpu.memory_space<vmem>> -> memref<128x128xf32, #tpu.memory_space<vmem>>
      %dma_wait3A_111 = arith.constant 0 : i32
      %dma_wait3A_112 = tpu.memref_slice %arg4[%mul3A_107, %dma_wait3A_111] : memref<8192x128xf32, #tpu.memory_space<hbm>> -> memref<128x128xf32, #tpu.memory_space<hbm>>
      %dma_wait3A_113 = tpu.memref_slice %run_scoped3A_9[%rem3A_105] : memref<2x!tpu.dma_semaphore, #tpu.memory_space<semaphore_mem>> -> memref<1x!tpu.dma_semaphore, #tpu.memory_space<semaphore_mem>>
      %dma_wait3A_114 = tpu.memref_squeeze %dma_wait3A_113 : memref<1x!tpu.dma_semaphore, #tpu.memory_space<semaphore_mem>> -> memref<!tpu.dma_semaphore, #tpu.memory_space<semaphore_mem>>
      %dma_wait3A_115 = arith.constant 0 : i32
      %dma_wait3A_116 = tpu.memref_slice %arg4[%mul3A_107, %dma_wait3A_115] : memref<8192x128xf32, #tpu.memory_space<hbm>> -> memref<128x128xf32, #tpu.memory_space<hbm>>
      %dma_wait3A_117 = arith.constant 0 : i32
      %dma_wait3A_118 = arith.constant 0 : i32
      %dma_wait3A_119 = tpu.memref_slice %run_scoped3A_8[%rem3A_105, %dma_wait3A_117, %dma_wait3A_118] : memref<2x128x128xf32, #tpu.memory_space<vmem>> -> memref<1x128x128xf32, #tpu.memory_space<vmem>>
      %dma_wait3A_120 = tpu.memref_squeeze %dma_wait3A_119 : memref<1x128x128xf32, #tpu.memory_space<vmem>> -> memref<128x128xf32, #tpu.memory_space<vmem>>
      tpu.wait_dma2 semaphore(%dma_wait3A_114 : memref<!tpu.dma_semaphore, #tpu.memory_space<semaphore_mem>>) src(%dma_wait3A_120 : memref<128x128xf32, #tpu.memory_space<vmem>>) dst(%dma_wait3A_116 : memref<128x128xf32, #tpu.memory_space<hbm>>)
      "tpu.trace_stop"() : () -> ()
      tpu.yield
    }) : () -> ()
    return
  }
}

module attributes {stable_mosaic.version = 14 : i64} {
  func.func @_fps_body(%arg0: memref<3x8x4096xf32, #tpu.memory_space<vmem>>, %arg1: memref<8x1024xi32, #tpu.memory_space<vmem>>) attributes {dimension_semantics = [], scalar_prefetch = 0 : i64, scratch_operands = 0 : i64, tpu.core_type = #tpu.core_type<tc>} {
    %get3A = arith.constant 0 : index
    %get3A_0 = arith.constant 0 : index
    %get3A_1 = arith.constant 0 : index
    %get3A_2 = vector.load %arg0[%get3A, %get3A_0, %get3A_1] : memref<3x8x4096xf32, #tpu.memory_space<vmem>>, vector<1x8x4096xf32>
    %get3A_3 = vector.shape_cast %get3A_2 : vector<1x8x4096xf32> to vector<8x4096xf32>
    %get3A_4 = arith.constant 1 : index
    %get3A_5 = arith.constant 0 : index
    %get3A_6 = arith.constant 0 : index
    %get3A_7 = vector.load %arg0[%get3A_4, %get3A_5, %get3A_6] : memref<3x8x4096xf32, #tpu.memory_space<vmem>>, vector<1x8x4096xf32>
    %get3A_8 = vector.shape_cast %get3A_7 : vector<1x8x4096xf32> to vector<8x4096xf32>
    %get3A_9 = arith.constant 2 : index
    %get3A_10 = arith.constant 0 : index
    %get3A_11 = arith.constant 0 : index
    %get3A_12 = vector.load %arg0[%get3A_9, %get3A_10, %get3A_11] : memref<3x8x4096xf32, #tpu.memory_space<vmem>>, vector<1x8x4096xf32>
    %get3A_13 = vector.shape_cast %get3A_12 : vector<1x8x4096xf32> to vector<8x4096xf32>
    %iota3A = tpu.iota {dimensions = array<i32: 1>} : vector<8x4096xi32>
    %iota3A_14 = tpu.iota {dimensions = array<i32: 1>} : vector<8x1024xi32>
    %iota3A_15 = tpu.iota {dimensions = array<i32: 0>} : vector<8x1024xi32>
    %mul3A = arith.constant 0 : i32
    %mul3A_16 = vector.broadcast %mul3A : i32 to vector<8x1024xi32>
    %mul3A_17 = arith.muli %iota3A_14, %mul3A_16 : vector<8x1024xi32>
    %mul3A_18 = arith.constant 0 : i32
    %mul3A_19 = vector.broadcast %mul3A_18 : i32 to vector<8x1024xi32>
    %mul3A_20 = arith.muli %iota3A_15, %mul3A_19 : vector<8x1024xi32>
    %add3A = arith.addi %mul3A_17, %mul3A_20 : vector<8x1024xi32>
    %broadcast_in_dim3A = arith.constant 1.000000e+10 : f32
    %broadcast_in_dim3A_21 = vector.broadcast %broadcast_in_dim3A : f32 to vector<8x4096xf32>
    %broadcast_in_dim3A_22 = arith.constant 0 : i32
    %broadcast_in_dim3A_23 = vector.broadcast %broadcast_in_dim3A_22 : i32 to vector<8x1xi32>
    %scan3A = arith.constant 0 : i32
    %scan3A_24 = arith.constant 1024 : i32
    %scan3A_25 = arith.addi %scan3A, %scan3A_24 : i32
    %scan3A_26 = arith.constant 4 : i32
    %scan3A_27:2 = scf.for %scan3A_29 = %scan3A to %scan3A_25 step %scan3A_26 iter_args(%scan3A_30 = %broadcast_in_dim3A_21, %scan3A_31 = %broadcast_in_dim3A_23) -> (vector<8x4096xf32>, vector<8x1xi32>)  : i32 {
      %add3A_32 = vector.broadcast %scan3A_31 : vector<8x1xi32> to vector<8x1024xi32>
      %add3A_33 = arith.addi %add3A_32, %add3A : vector<8x1024xi32>
      %eq3A = vector.broadcast %scan3A_29 : i32 to vector<8x1024xi32>
      %eq3A_34 = arith.cmpi eq, %iota3A_14, %eq3A : vector<8x1024xi32>
      %get3A_35 = arith.constant 0 : index
      %get3A_36 = arith.constant 0 : index
      %get3A_37 = vector.load %arg1[%get3A_35, %get3A_36] : memref<8x1024xi32, #tpu.memory_space<vmem>>, vector<8x1024xi32>
      %select_n3A = arith.select %eq3A_34, %add3A_33, %get3A_37 : vector<8x1024xi1>, vector<8x1024xi32>
      %swap3A = arith.constant 0 : index
      %swap3A_38 = arith.constant 0 : index
      %swap3A_39 = vector.load %arg1[%swap3A, %swap3A_38] : memref<8x1024xi32, #tpu.memory_space<vmem>>, vector<8x1024xi32>
      tpu.vector_store %arg1[%swap3A, %swap3A_38], %select_n3A {strides = array<i32>} : memref<8x1024xi32, #tpu.memory_space<vmem>>, vector<8x1024xi32>,
      %eq3A_40 = vector.broadcast %scan3A_31 : vector<8x1xi32> to vector<8x4096xi32>
      %eq3A_41 = arith.cmpi eq, %iota3A, %eq3A_40 : vector<8x4096xi32>
      %jit3A = arith.constant 0.000000e+00 : f32
      %broadcast_in_dim3A_42 = vector.broadcast %jit3A : f32 to vector<8x4096xf32>
      %select_n3A_43 = arith.select %eq3A_41, %get3A_3, %broadcast_in_dim3A_42 : vector<8x4096xi1>, vector<8x4096xf32>
      %reduce_sum3A = arith.constant dense<0.000000e+00> : vector<8xf32>
      %reduce_sum3A_44 = vector.multi_reduction <add>, %select_n3A_43, %reduce_sum3A [1] : vector<8x4096xf32> to vector<8xf32>
      %broadcast_in_dim3A_45 = vector.shape_cast %reduce_sum3A_44 : vector<8xf32> to vector<8x1xf32>
      %jit3A_46 = arith.constant 0.000000e+00 : f32
      %broadcast_in_dim3A_47 = vector.broadcast %jit3A_46 : f32 to vector<8x4096xf32>
      %select_n3A_48 = arith.select %eq3A_41, %get3A_8, %broadcast_in_dim3A_47 : vector<8x4096xi1>, vector<8x4096xf32>
      %reduce_sum3A_49 = arith.constant dense<0.000000e+00> : vector<8xf32>
      %reduce_sum3A_50 = vector.multi_reduction <add>, %select_n3A_48, %reduce_sum3A_49 [1] : vector<8x4096xf32> to vector<8xf32>
      %broadcast_in_dim3A_51 = vector.shape_cast %reduce_sum3A_50 : vector<8xf32> to vector<8x1xf32>
      %jit3A_52 = arith.constant 0.000000e+00 : f32
      %broadcast_in_dim3A_53 = vector.broadcast %jit3A_52 : f32 to vector<8x4096xf32>
      %select_n3A_54 = arith.select %eq3A_41, %get3A_13, %broadcast_in_dim3A_53 : vector<8x4096xi1>, vector<8x4096xf32>
      %reduce_sum3A_55 = arith.constant dense<0.000000e+00> : vector<8xf32>
      %reduce_sum3A_56 = vector.multi_reduction <add>, %select_n3A_54, %reduce_sum3A_55 [1] : vector<8x4096xf32> to vector<8xf32>
      %broadcast_in_dim3A_57 = vector.shape_cast %reduce_sum3A_56 : vector<8xf32> to vector<8x1xf32>
      %sub3A = vector.broadcast %broadcast_in_dim3A_45 : vector<8x1xf32> to vector<8x4096xf32>
      %sub3A_58 = arith.subf %get3A_3, %sub3A : vector<8x4096xf32>
      %integer_pow3A = arith.mulf %sub3A_58, %sub3A_58 : vector<8x4096xf32>
      %sub3A_59 = vector.broadcast %broadcast_in_dim3A_51 : vector<8x1xf32> to vector<8x4096xf32>
      %sub3A_60 = arith.subf %get3A_8, %sub3A_59 : vector<8x4096xf32>
      %integer_pow3A_61 = arith.mulf %sub3A_60, %sub3A_60 : vector<8x4096xf32>
      %add3A_62 = arith.addf %integer_pow3A, %integer_pow3A_61 : vector<8x4096xf32>
      %sub3A_63 = vector.broadcast %broadcast_in_dim3A_57 : vector<8x1xf32> to vector<8x4096xf32>
      %sub3A_64 = arith.subf %get3A_13, %sub3A_63 : vector<8x4096xf32>
      %integer_pow3A_65 = arith.mulf %sub3A_64, %sub3A_64 : vector<8x4096xf32>
      %add3A_66 = arith.addf %add3A_62, %integer_pow3A_65 : vector<8x4096xf32>
      %min3A = arith.minimumf %scan3A_30, %add3A_66 : vector<8x4096xf32>
      %reduce_max3A = arith.constant dense<0xFF800000> : vector<8xf32>
      %reduce_max3A_67 = vector.multi_reduction <maximumf>, %min3A, %reduce_max3A [1] : vector<8x4096xf32> to vector<8xf32>
      %broadcast_in_dim3A_68 = vector.shape_cast %reduce_max3A_67 : vector<8xf32> to vector<8x1xf32>
      %eq3A_69 = vector.broadcast %broadcast_in_dim3A_68 : vector<8x1xf32> to vector<8x4096xf32>
      %eq3A_70 = arith.cmpf oeq, %min3A, %eq3A_69 : vector<8x4096xf32>
      %jit3A_71 = arith.constant 4096 : i32
      %broadcast_in_dim3A_72 = vector.broadcast %jit3A_71 : i32 to vector<8x4096xi32>
      %select_n3A_73 = arith.select %eq3A_70, %iota3A, %broadcast_in_dim3A_72 : vector<8x4096xi1>, vector<8x4096xi32>
      %reduce_min3A = arith.constant dense<2147483647> : vector<8xi32>
      %reduce_min3A_74 = vector.multi_reduction <minsi>, %select_n3A_73, %reduce_min3A [1] : vector<8x4096xi32> to vector<8xi32>
      %broadcast_in_dim3A_75 = vector.shape_cast %reduce_min3A_74 : vector<8xi32> to vector<8x1xi32>
      %scan3A_76 = arith.constant 1 : i32
      %scan3A_77 = arith.addi %scan3A_29, %scan3A_76 : i32
      %add3A_78 = vector.broadcast %broadcast_in_dim3A_75 : vector<8x1xi32> to vector<8x1024xi32>
      %add3A_79 = arith.addi %add3A_78, %add3A : vector<8x1024xi32>
      %eq3A_80 = vector.broadcast %scan3A_77 : i32 to vector<8x1024xi32>
      %eq3A_81 = arith.cmpi eq, %iota3A_14, %eq3A_80 : vector<8x1024xi32>
      %get3A_82 = arith.constant 0 : index
      %get3A_83 = arith.constant 0 : index
      %get3A_84 = vector.load %arg1[%get3A_82, %get3A_83] : memref<8x1024xi32, #tpu.memory_space<vmem>>, vector<8x1024xi32>
      %select_n3A_85 = arith.select %eq3A_81, %add3A_79, %get3A_84 : vector<8x1024xi1>, vector<8x1024xi32>
      %swap3A_86 = arith.constant 0 : index
      %swap3A_87 = arith.constant 0 : index
      %swap3A_88 = vector.load %arg1[%swap3A_86, %swap3A_87] : memref<8x1024xi32, #tpu.memory_space<vmem>>, vector<8x1024xi32>
      tpu.vector_store %arg1[%swap3A_86, %swap3A_87], %select_n3A_85 {strides = array<i32>} : memref<8x1024xi32, #tpu.memory_space<vmem>>, vector<8x1024xi32>,
      %eq3A_89 = vector.broadcast %broadcast_in_dim3A_75 : vector<8x1xi32> to vector<8x4096xi32>
      %eq3A_90 = arith.cmpi eq, %iota3A, %eq3A_89 : vector<8x4096xi32>
      %jit3A_91 = arith.constant 0.000000e+00 : f32
      %broadcast_in_dim3A_92 = vector.broadcast %jit3A_91 : f32 to vector<8x4096xf32>
      %select_n3A_93 = arith.select %eq3A_90, %get3A_3, %broadcast_in_dim3A_92 : vector<8x4096xi1>, vector<8x4096xf32>
      %reduce_sum3A_94 = arith.constant dense<0.000000e+00> : vector<8xf32>
      %reduce_sum3A_95 = vector.multi_reduction <add>, %select_n3A_93, %reduce_sum3A_94 [1] : vector<8x4096xf32> to vector<8xf32>
      %broadcast_in_dim3A_96 = vector.shape_cast %reduce_sum3A_95 : vector<8xf32> to vector<8x1xf32>
      %jit3A_97 = arith.constant 0.000000e+00 : f32
      %broadcast_in_dim3A_98 = vector.broadcast %jit3A_97 : f32 to vector<8x4096xf32>
      %select_n3A_99 = arith.select %eq3A_90, %get3A_8, %broadcast_in_dim3A_98 : vector<8x4096xi1>, vector<8x4096xf32>
      %reduce_sum3A_100 = arith.constant dense<0.000000e+00> : vector<8xf32>
      %reduce_sum3A_101 = vector.multi_reduction <add>, %select_n3A_99, %reduce_sum3A_100 [1] : vector<8x4096xf32> to vector<8xf32>
      %broadcast_in_dim3A_102 = vector.shape_cast %reduce_sum3A_101 : vector<8xf32> to vector<8x1xf32>
      %jit3A_103 = arith.constant 0.000000e+00 : f32
      %broadcast_in_dim3A_104 = vector.broadcast %jit3A_103 : f32 to vector<8x4096xf32>
      %select_n3A_105 = arith.select %eq3A_90, %get3A_13, %broadcast_in_dim3A_104 : vector<8x4096xi1>, vector<8x4096xf32>
      %reduce_sum3A_106 = arith.constant dense<0.000000e+00> : vector<8xf32>
      %reduce_sum3A_107 = vector.multi_reduction <add>, %select_n3A_105, %reduce_sum3A_106 [1] : vector<8x4096xf32> to vector<8xf32>
      %broadcast_in_dim3A_108 = vector.shape_cast %reduce_sum3A_107 : vector<8xf32> to vector<8x1xf32>
      %sub3A_109 = vector.broadcast %broadcast_in_dim3A_96 : vector<8x1xf32> to vector<8x4096xf32>
      %sub3A_110 = arith.subf %get3A_3, %sub3A_109 : vector<8x4096xf32>
      %integer_pow3A_111 = arith.mulf %sub3A_110, %sub3A_110 : vector<8x4096xf32>
      %sub3A_112 = vector.broadcast %broadcast_in_dim3A_102 : vector<8x1xf32> to vector<8x4096xf32>
      %sub3A_113 = arith.subf %get3A_8, %sub3A_112 : vector<8x4096xf32>
      %integer_pow3A_114 = arith.mulf %sub3A_113, %sub3A_113 : vector<8x4096xf32>
      %add3A_115 = arith.addf %integer_pow3A_111, %integer_pow3A_114 : vector<8x4096xf32>
      %sub3A_116 = vector.broadcast %broadcast_in_dim3A_108 : vector<8x1xf32> to vector<8x4096xf32>
      %sub3A_117 = arith.subf %get3A_13, %sub3A_116 : vector<8x4096xf32>
      %integer_pow3A_118 = arith.mulf %sub3A_117, %sub3A_117 : vector<8x4096xf32>
      %add3A_119 = arith.addf %add3A_115, %integer_pow3A_118 : vector<8x4096xf32>
      %min3A_120 = arith.minimumf %min3A, %add3A_119 : vector<8x4096xf32>
      %reduce_max3A_121 = arith.constant dense<0xFF800000> : vector<8xf32>
      %reduce_max3A_122 = vector.multi_reduction <maximumf>, %min3A_120, %reduce_max3A_121 [1] : vector<8x4096xf32> to vector<8xf32>
      %broadcast_in_dim3A_123 = vector.shape_cast %reduce_max3A_122 : vector<8xf32> to vector<8x1xf32>
      %eq3A_124 = vector.broadcast %broadcast_in_dim3A_123 : vector<8x1xf32> to vector<8x4096xf32>
      %eq3A_125 = arith.cmpf oeq, %min3A_120, %eq3A_124 : vector<8x4096xf32>
      %jit3A_126 = arith.constant 4096 : i32
      %broadcast_in_dim3A_127 = vector.broadcast %jit3A_126 : i32 to vector<8x4096xi32>
      %select_n3A_128 = arith.select %eq3A_125, %iota3A, %broadcast_in_dim3A_127 : vector<8x4096xi1>, vector<8x4096xi32>
      %reduce_min3A_129 = arith.constant dense<2147483647> : vector<8xi32>
      %reduce_min3A_130 = vector.multi_reduction <minsi>, %select_n3A_128, %reduce_min3A_129 [1] : vector<8x4096xi32> to vector<8xi32>
      %broadcast_in_dim3A_131 = vector.shape_cast %reduce_min3A_130 : vector<8xi32> to vector<8x1xi32>
      %scan3A_132 = arith.constant 2 : i32
      %scan3A_133 = arith.addi %scan3A_29, %scan3A_132 : i32
      %add3A_134 = vector.broadcast %broadcast_in_dim3A_131 : vector<8x1xi32> to vector<8x1024xi32>
      %add3A_135 = arith.addi %add3A_134, %add3A : vector<8x1024xi32>
      %eq3A_136 = vector.broadcast %scan3A_133 : i32 to vector<8x1024xi32>
      %eq3A_137 = arith.cmpi eq, %iota3A_14, %eq3A_136 : vector<8x1024xi32>
      %get3A_138 = arith.constant 0 : index
      %get3A_139 = arith.constant 0 : index
      %get3A_140 = vector.load %arg1[%get3A_138, %get3A_139] : memref<8x1024xi32, #tpu.memory_space<vmem>>, vector<8x1024xi32>
      %select_n3A_141 = arith.select %eq3A_137, %add3A_135, %get3A_140 : vector<8x1024xi1>, vector<8x1024xi32>
      %swap3A_142 = arith.constant 0 : index
      %swap3A_143 = arith.constant 0 : index
      %swap3A_144 = vector.load %arg1[%swap3A_142, %swap3A_143] : memref<8x1024xi32, #tpu.memory_space<vmem>>, vector<8x1024xi32>
      tpu.vector_store %arg1[%swap3A_142, %swap3A_143], %select_n3A_141 {strides = array<i32>} : memref<8x1024xi32, #tpu.memory_space<vmem>>, vector<8x1024xi32>,
      %eq3A_145 = vector.broadcast %broadcast_in_dim3A_131 : vector<8x1xi32> to vector<8x4096xi32>
      %eq3A_146 = arith.cmpi eq, %iota3A, %eq3A_145 : vector<8x4096xi32>
      %jit3A_147 = arith.constant 0.000000e+00 : f32
      %broadcast_in_dim3A_148 = vector.broadcast %jit3A_147 : f32 to vector<8x4096xf32>
      %select_n3A_149 = arith.select %eq3A_146, %get3A_3, %broadcast_in_dim3A_148 : vector<8x4096xi1>, vector<8x4096xf32>
      %reduce_sum3A_150 = arith.constant dense<0.000000e+00> : vector<8xf32>
      %reduce_sum3A_151 = vector.multi_reduction <add>, %select_n3A_149, %reduce_sum3A_150 [1] : vector<8x4096xf32> to vector<8xf32>
      %broadcast_in_dim3A_152 = vector.shape_cast %reduce_sum3A_151 : vector<8xf32> to vector<8x1xf32>
      %jit3A_153 = arith.constant 0.000000e+00 : f32
      %broadcast_in_dim3A_154 = vector.broadcast %jit3A_153 : f32 to vector<8x4096xf32>
      %select_n3A_155 = arith.select %eq3A_146, %get3A_8, %broadcast_in_dim3A_154 : vector<8x4096xi1>, vector<8x4096xf32>
      %reduce_sum3A_156 = arith.constant dense<0.000000e+00> : vector<8xf32>
      %reduce_sum3A_157 = vector.multi_reduction <add>, %select_n3A_155, %reduce_sum3A_156 [1] : vector<8x4096xf32> to vector<8xf32>
      %broadcast_in_dim3A_158 = vector.shape_cast %reduce_sum3A_157 : vector<8xf32> to vector<8x1xf32>
      %jit3A_159 = arith.constant 0.000000e+00 : f32
      %broadcast_in_dim3A_160 = vector.broadcast %jit3A_159 : f32 to vector<8x4096xf32>
      %select_n3A_161 = arith.select %eq3A_146, %get3A_13, %broadcast_in_dim3A_160 : vector<8x4096xi1>, vector<8x4096xf32>
      %reduce_sum3A_162 = arith.constant dense<0.000000e+00> : vector<8xf32>
      %reduce_sum3A_163 = vector.multi_reduction <add>, %select_n3A_161, %reduce_sum3A_162 [1] : vector<8x4096xf32> to vector<8xf32>
      %broadcast_in_dim3A_164 = vector.shape_cast %reduce_sum3A_163 : vector<8xf32> to vector<8x1xf32>
      %sub3A_165 = vector.broadcast %broadcast_in_dim3A_152 : vector<8x1xf32> to vector<8x4096xf32>
      %sub3A_166 = arith.subf %get3A_3, %sub3A_165 : vector<8x4096xf32>
      %integer_pow3A_167 = arith.mulf %sub3A_166, %sub3A_166 : vector<8x4096xf32>
      %sub3A_168 = vector.broadcast %broadcast_in_dim3A_158 : vector<8x1xf32> to vector<8x4096xf32>
      %sub3A_169 = arith.subf %get3A_8, %sub3A_168 : vector<8x4096xf32>
      %integer_pow3A_170 = arith.mulf %sub3A_169, %sub3A_169 : vector<8x4096xf32>
      %add3A_171 = arith.addf %integer_pow3A_167, %integer_pow3A_170 : vector<8x4096xf32>
      %sub3A_172 = vector.broadcast %broadcast_in_dim3A_164 : vector<8x1xf32> to vector<8x4096xf32>
      %sub3A_173 = arith.subf %get3A_13, %sub3A_172 : vector<8x4096xf32>
      %integer_pow3A_174 = arith.mulf %sub3A_173, %sub3A_173 : vector<8x4096xf32>
      %add3A_175 = arith.addf %add3A_171, %integer_pow3A_174 : vector<8x4096xf32>
      %min3A_176 = arith.minimumf %min3A_120, %add3A_175 : vector<8x4096xf32>
      %reduce_max3A_177 = arith.constant dense<0xFF800000> : vector<8xf32>
      %reduce_max3A_178 = vector.multi_reduction <maximumf>, %min3A_176, %reduce_max3A_177 [1] : vector<8x4096xf32> to vector<8xf32>
      %broadcast_in_dim3A_179 = vector.shape_cast %reduce_max3A_178 : vector<8xf32> to vector<8x1xf32>
      %eq3A_180 = vector.broadcast %broadcast_in_dim3A_179 : vector<8x1xf32> to vector<8x4096xf32>
      %eq3A_181 = arith.cmpf oeq, %min3A_176, %eq3A_180 : vector<8x4096xf32>
      %jit3A_182 = arith.constant 4096 : i32
      %broadcast_in_dim3A_183 = vector.broadcast %jit3A_182 : i32 to vector<8x4096xi32>
      %select_n3A_184 = arith.select %eq3A_181, %iota3A, %broadcast_in_dim3A_183 : vector<8x4096xi1>, vector<8x4096xi32>
      %reduce_min3A_185 = arith.constant dense<2147483647> : vector<8xi32>
      %reduce_min3A_186 = vector.multi_reduction <minsi>, %select_n3A_184, %reduce_min3A_185 [1] : vector<8x4096xi32> to vector<8xi32>
      %broadcast_in_dim3A_187 = vector.shape_cast %reduce_min3A_186 : vector<8xi32> to vector<8x1xi32>
      %scan3A_188 = arith.constant 3 : i32
      %scan3A_189 = arith.addi %scan3A_29, %scan3A_188 : i32
      %add3A_190 = vector.broadcast %broadcast_in_dim3A_187 : vector<8x1xi32> to vector<8x1024xi32>
      %add3A_191 = arith.addi %add3A_190, %add3A : vector<8x1024xi32>
      %eq3A_192 = vector.broadcast %scan3A_189 : i32 to vector<8x1024xi32>
      %eq3A_193 = arith.cmpi eq, %iota3A_14, %eq3A_192 : vector<8x1024xi32>
      %get3A_194 = arith.constant 0 : index
      %get3A_195 = arith.constant 0 : index
      %get3A_196 = vector.load %arg1[%get3A_194, %get3A_195] : memref<8x1024xi32, #tpu.memory_space<vmem>>, vector<8x1024xi32>
      %select_n3A_197 = arith.select %eq3A_193, %add3A_191, %get3A_196 : vector<8x1024xi1>, vector<8x1024xi32>
      %swap3A_198 = arith.constant 0 : index
      %swap3A_199 = arith.constant 0 : index
      %swap3A_200 = vector.load %arg1[%swap3A_198, %swap3A_199] : memref<8x1024xi32, #tpu.memory_space<vmem>>, vector<8x1024xi32>
      tpu.vector_store %arg1[%swap3A_198, %swap3A_199], %select_n3A_197 {strides = array<i32>} : memref<8x1024xi32, #tpu.memory_space<vmem>>, vector<8x1024xi32>,
      %eq3A_201 = vector.broadcast %broadcast_in_dim3A_187 : vector<8x1xi32> to vector<8x4096xi32>
      %eq3A_202 = arith.cmpi eq, %iota3A, %eq3A_201 : vector<8x4096xi32>
      %jit3A_203 = arith.constant 0.000000e+00 : f32
      %broadcast_in_dim3A_204 = vector.broadcast %jit3A_203 : f32 to vector<8x4096xf32>
      %select_n3A_205 = arith.select %eq3A_202, %get3A_3, %broadcast_in_dim3A_204 : vector<8x4096xi1>, vector<8x4096xf32>
      %reduce_sum3A_206 = arith.constant dense<0.000000e+00> : vector<8xf32>
      %reduce_sum3A_207 = vector.multi_reduction <add>, %select_n3A_205, %reduce_sum3A_206 [1] : vector<8x4096xf32> to vector<8xf32>
      %broadcast_in_dim3A_208 = vector.shape_cast %reduce_sum3A_207 : vector<8xf32> to vector<8x1xf32>
      %jit3A_209 = arith.constant 0.000000e+00 : f32
      %broadcast_in_dim3A_210 = vector.broadcast %jit3A_209 : f32 to vector<8x4096xf32>
      %select_n3A_211 = arith.select %eq3A_202, %get3A_8, %broadcast_in_dim3A_210 : vector<8x4096xi1>, vector<8x4096xf32>
      %reduce_sum3A_212 = arith.constant dense<0.000000e+00> : vector<8xf32>
      %reduce_sum3A_213 = vector.multi_reduction <add>, %select_n3A_211, %reduce_sum3A_212 [1] : vector<8x4096xf32> to vector<8xf32>
      %broadcast_in_dim3A_214 = vector.shape_cast %reduce_sum3A_213 : vector<8xf32> to vector<8x1xf32>
      %jit3A_215 = arith.constant 0.000000e+00 : f32
      %broadcast_in_dim3A_216 = vector.broadcast %jit3A_215 : f32 to vector<8x4096xf32>
      %select_n3A_217 = arith.select %eq3A_202, %get3A_13, %broadcast_in_dim3A_216 : vector<8x4096xi1>, vector<8x4096xf32>
      %reduce_sum3A_218 = arith.constant dense<0.000000e+00> : vector<8xf32>
      %reduce_sum3A_219 = vector.multi_reduction <add>, %select_n3A_217, %reduce_sum3A_218 [1] : vector<8x4096xf32> to vector<8xf32>
      %broadcast_in_dim3A_220 = vector.shape_cast %reduce_sum3A_219 : vector<8xf32> to vector<8x1xf32>
      %sub3A_221 = vector.broadcast %broadcast_in_dim3A_208 : vector<8x1xf32> to vector<8x4096xf32>
      %sub3A_222 = arith.subf %get3A_3, %sub3A_221 : vector<8x4096xf32>
      %integer_pow3A_223 = arith.mulf %sub3A_222, %sub3A_222 : vector<8x4096xf32>
      %sub3A_224 = vector.broadcast %broadcast_in_dim3A_214 : vector<8x1xf32> to vector<8x4096xf32>
      %sub3A_225 = arith.subf %get3A_8, %sub3A_224 : vector<8x4096xf32>
      %integer_pow3A_226 = arith.mulf %sub3A_225, %sub3A_225 : vector<8x4096xf32>
      %add3A_227 = arith.addf %integer_pow3A_223, %integer_pow3A_226 : vector<8x4096xf32>
      %sub3A_228 = vector.broadcast %broadcast_in_dim3A_220 : vector<8x1xf32> to vector<8x4096xf32>
      %sub3A_229 = arith.subf %get3A_13, %sub3A_228 : vector<8x4096xf32>
      %integer_pow3A_230 = arith.mulf %sub3A_229, %sub3A_229 : vector<8x4096xf32>
      %add3A_231 = arith.addf %add3A_227, %integer_pow3A_230 : vector<8x4096xf32>
      %min3A_232 = arith.minimumf %min3A_176, %add3A_231 : vector<8x4096xf32>
      %reduce_max3A_233 = arith.constant dense<0xFF800000> : vector<8xf32>
      %reduce_max3A_234 = vector.multi_reduction <maximumf>, %min3A_232, %reduce_max3A_233 [1] : vector<8x4096xf32> to vector<8xf32>
      %broadcast_in_dim3A_235 = vector.shape_cast %reduce_max3A_234 : vector<8xf32> to vector<8x1xf32>
      %eq3A_236 = vector.broadcast %broadcast_in_dim3A_235 : vector<8x1xf32> to vector<8x4096xf32>
      %eq3A_237 = arith.cmpf oeq, %min3A_232, %eq3A_236 : vector<8x4096xf32>
      %jit3A_238 = arith.constant 4096 : i32
      %broadcast_in_dim3A_239 = vector.broadcast %jit3A_238 : i32 to vector<8x4096xi32>
      %select_n3A_240 = arith.select %eq3A_237, %iota3A, %broadcast_in_dim3A_239 : vector<8x4096xi1>, vector<8x4096xi32>
      %reduce_min3A_241 = arith.constant dense<2147483647> : vector<8xi32>
      %reduce_min3A_242 = vector.multi_reduction <minsi>, %select_n3A_240, %reduce_min3A_241 [1] : vector<8x4096xi32> to vector<8xi32>
      %broadcast_in_dim3A_243 = vector.shape_cast %reduce_min3A_242 : vector<8xi32> to vector<8x1xi32>
      scf.yield %min3A_232, %broadcast_in_dim3A_243 : vector<8x4096xf32>, vector<8x1xi32>
    }
    %scan3A_28 = arith.constant 1024 : i32
    return
  }
}

module attributes {stable_mosaic.version = 14 : i64} {
  func.func @_knn_body(%arg0: i32, %arg1: memref<256x128xf32, #tpu.memory_space<vmem>>, %arg2: memref<1x3x4096xf32, #tpu.memory_space<vmem>>, %arg3: memref<256x32xi32, #tpu.memory_space<vmem>>) attributes {dimension_semantics = [#tpu.dimension_semantics<parallel>], iteration_bounds = array<i64: 32>, scalar_prefetch = 0 : i64, scratch_operands = 0 : i64, tpu.core_type = #tpu.core_type<tc>, window_params = [{transform_indices = @transform_0, window_bounds = array<i64: 256, 128>}, {transform_indices = @transform_1, window_bounds = array<i64: 1, 3, 4096>}, {transform_indices = @transform_2, window_bounds = array<i64: 256, 32>}]} {
    %get3A = arith.constant 0 : index
    %get3A_0 = arith.constant 0 : index
    %get3A_1 = arith.constant 0 : index
    %get3A_2 = vector.load %arg2[%get3A, %get3A_0, %get3A_1] : memref<1x3x4096xf32, #tpu.memory_space<vmem>>, vector<1x1x4096xf32>
    %get3A_3 = vector.shape_cast %get3A_2 : vector<1x1x4096xf32> to vector<1x4096xf32>
    %get3A_4 = arith.constant 0 : index
    %get3A_5 = arith.constant 1 : index
    %get3A_6 = arith.constant 0 : index
    %get3A_7 = vector.load %arg2[%get3A_4, %get3A_5, %get3A_6] : memref<1x3x4096xf32, #tpu.memory_space<vmem>>, vector<1x1x4096xf32>
    %get3A_8 = vector.shape_cast %get3A_7 : vector<1x1x4096xf32> to vector<1x4096xf32>
    %get3A_9 = arith.constant 0 : index
    %get3A_10 = arith.constant 2 : index
    %get3A_11 = arith.constant 0 : index
    %get3A_12 = vector.load %arg2[%get3A_9, %get3A_10, %get3A_11] : memref<1x3x4096xf32, #tpu.memory_space<vmem>>, vector<1x1x4096xf32>
    %get3A_13 = vector.shape_cast %get3A_12 : vector<1x1x4096xf32> to vector<1x4096xf32>
    %get3A_14 = arith.constant 0 : index
    %get3A_15 = arith.constant 64 : index
    %get3A_16 = vector.load %arg1[%get3A_14, %get3A_15] : memref<256x128xf32, #tpu.memory_space<vmem>>, vector<256x1xf32>
    %get3A_17 = arith.constant 0 : index
    %get3A_18 = arith.constant 65 : index
    %get3A_19 = vector.load %arg1[%get3A_17, %get3A_18] : memref<256x128xf32, #tpu.memory_space<vmem>>, vector<256x1xf32>
    %get3A_20 = arith.constant 0 : index
    %get3A_21 = arith.constant 66 : index
    %get3A_22 = vector.load %arg1[%get3A_20, %get3A_21] : memref<256x128xf32, #tpu.memory_space<vmem>>, vector<256x1xf32>
    %mul3A = arith.mulf %get3A_16, %get3A_16 : vector<256x1xf32>
    %mul3A_23 = arith.mulf %get3A_19, %get3A_19 : vector<256x1xf32>
    %add3A = arith.addf %mul3A, %mul3A_23 : vector<256x1xf32>
    %mul3A_24 = arith.mulf %get3A_22, %get3A_22 : vector<256x1xf32>
    %add3A_25 = arith.addf %add3A, %mul3A_24 : vector<256x1xf32>
    %mul3A_26 = arith.mulf %get3A_3, %get3A_3 : vector<1x4096xf32>
    %mul3A_27 = arith.mulf %get3A_8, %get3A_8 : vector<1x4096xf32>
    %add3A_28 = arith.addf %mul3A_26, %mul3A_27 : vector<1x4096xf32>
    %mul3A_29 = arith.mulf %get3A_13, %get3A_13 : vector<1x4096xf32>
    %add3A_30 = arith.addf %add3A_28, %mul3A_29 : vector<1x4096xf32>
    %convert_element_type3A = arith.truncf %get3A_3 : vector<1x4096xf32> to vector<1x4096xbf16>
    %convert_element_type3A_31 = arith.extf %convert_element_type3A : vector<1x4096xbf16> to vector<1x4096xf32>
    %convert_element_type3A_32 = arith.truncf %get3A_16 : vector<256x1xf32> to vector<256x1xbf16>
    %convert_element_type3A_33 = arith.extf %convert_element_type3A_32 : vector<256x1xbf16> to vector<256x1xf32>
    %mul3A_34 = vector.broadcast %convert_element_type3A_31 : vector<1x4096xf32> to vector<256x4096xf32>
    %mul3A_35 = vector.broadcast %convert_element_type3A_33 : vector<256x1xf32> to vector<256x4096xf32>
    %mul3A_36 = arith.mulf %mul3A_34, %mul3A_35 : vector<256x4096xf32>
    %convert_element_type3A_37 = arith.truncf %get3A_8 : vector<1x4096xf32> to vector<1x4096xbf16>
    %convert_element_type3A_38 = arith.extf %convert_element_type3A_37 : vector<1x4096xbf16> to vector<1x4096xf32>
    %convert_element_type3A_39 = arith.truncf %get3A_19 : vector<256x1xf32> to vector<256x1xbf16>
    %convert_element_type3A_40 = arith.extf %convert_element_type3A_39 : vector<256x1xbf16> to vector<256x1xf32>
    %mul3A_41 = vector.broadcast %convert_element_type3A_38 : vector<1x4096xf32> to vector<256x4096xf32>
    %mul3A_42 = vector.broadcast %convert_element_type3A_40 : vector<256x1xf32> to vector<256x4096xf32>
    %mul3A_43 = arith.mulf %mul3A_41, %mul3A_42 : vector<256x4096xf32>
    %add3A_44 = arith.addf %mul3A_36, %mul3A_43 : vector<256x4096xf32>
    %convert_element_type3A_45 = arith.truncf %get3A_13 : vector<1x4096xf32> to vector<1x4096xbf16>
    %convert_element_type3A_46 = arith.extf %convert_element_type3A_45 : vector<1x4096xbf16> to vector<1x4096xf32>
    %convert_element_type3A_47 = arith.truncf %get3A_22 : vector<256x1xf32> to vector<256x1xbf16>
    %convert_element_type3A_48 = arith.extf %convert_element_type3A_47 : vector<256x1xbf16> to vector<256x1xf32>
    %mul3A_49 = vector.broadcast %convert_element_type3A_46 : vector<1x4096xf32> to vector<256x4096xf32>
    %mul3A_50 = vector.broadcast %convert_element_type3A_48 : vector<256x1xf32> to vector<256x4096xf32>
    %mul3A_51 = arith.mulf %mul3A_49, %mul3A_50 : vector<256x4096xf32>
    %add3A_52 = arith.addf %add3A_44, %mul3A_51 : vector<256x4096xf32>
    %add3A_53 = vector.broadcast %add3A_25 : vector<256x1xf32> to vector<256x4096xf32>
    %add3A_54 = vector.broadcast %add3A_30 : vector<1x4096xf32> to vector<256x4096xf32>
    %add3A_55 = arith.addf %add3A_53, %add3A_54 : vector<256x4096xf32>
    %mul3A_56 = arith.constant 2.000000e+00 : f32
    %mul3A_57 = vector.broadcast %mul3A_56 : f32 to vector<256x4096xf32>
    %mul3A_58 = arith.mulf %mul3A_57, %add3A_52 : vector<256x4096xf32>
    %sub3A = arith.subf %add3A_55, %mul3A_58 : vector<256x4096xf32>
    %iota3A = tpu.iota {dimensions = array<i32: 1>} : vector<256x4096xi32>
    %iota3A_59 = tpu.iota {dimensions = array<i32: 1>} : vector<256x32xi32>
    %iota3A_60 = tpu.iota {dimensions = array<i32: 0>} : vector<256x32xi32>
    %mul3A_61 = arith.constant 0 : i32
    %mul3A_62 = vector.broadcast %mul3A_61 : i32 to vector<256x32xi32>
    %mul3A_63 = arith.muli %iota3A_59, %mul3A_62 : vector<256x32xi32>
    %mul3A_64 = arith.constant 0 : i32
    %mul3A_65 = vector.broadcast %mul3A_64 : i32 to vector<256x32xi32>
    %mul3A_66 = arith.muli %iota3A_60, %mul3A_65 : vector<256x32xi32>
    %add3A_67 = arith.addi %mul3A_63, %mul3A_66 : vector<256x32xi32>
    %scan3A = arith.constant 0x7F800000 : f32
    %scan3A_68 = arith.constant 0 : i32
    %scan3A_69 = arith.constant 32 : i32
    %scan3A_70 = arith.addi %scan3A_68, %scan3A_69 : i32
    %scan3A_71 = arith.constant 16 : i32
    %scan3A_72 = scf.for %scan3A_74 = %scan3A_68 to %scan3A_70 step %scan3A_71 iter_args(%scan3A_75 = %sub3A) -> (vector<256x4096xf32>)  : i32 {
      %reduce_min3A = arith.constant dense<0x7F800000> : vector<256xf32>
      %reduce_min3A_76 = vector.multi_reduction <minimumf>, %scan3A_75, %reduce_min3A [1] : vector<256x4096xf32> to vector<256xf32>
      %broadcast_in_dim3A = vector.shape_cast %reduce_min3A_76 : vector<256xf32> to vector<256x1xf32>
      %eq3A = vector.broadcast %broadcast_in_dim3A : vector<256x1xf32> to vector<256x4096xf32>
      %eq3A_77 = arith.cmpf oeq, %scan3A_75, %eq3A : vector<256x4096xf32>
      %jit3A = arith.constant 4096 : i32
      %broadcast_in_dim3A_78 = vector.broadcast %jit3A : i32 to vector<256x4096xi32>
      %select_n3A = arith.select %eq3A_77, %iota3A, %broadcast_in_dim3A_78 : vector<256x4096xi1>, vector<256x4096xi32>
      %reduce_min3A_79 = arith.constant dense<2147483647> : vector<256xi32>
      %reduce_min3A_80 = vector.multi_reduction <minsi>, %select_n3A, %reduce_min3A_79 [1] : vector<256x4096xi32> to vector<256xi32>
      %broadcast_in_dim3A_81 = vector.shape_cast %reduce_min3A_80 : vector<256xi32> to vector<256x1xi32>
      %eq3A_82 = vector.broadcast %scan3A_74 : i32 to vector<256x32xi32>
      %eq3A_83 = arith.cmpi eq, %iota3A_59, %eq3A_82 : vector<256x32xi32>
      %add3A_84 = vector.broadcast %broadcast_in_dim3A_81 : vector<256x1xi32> to vector<256x32xi32>
      %add3A_85 = arith.addi %add3A_84, %add3A_67 : vector<256x32xi32>
      %get3A_86 = arith.constant 0 : index
      %get3A_87 = arith.constant 0 : index
      %get3A_88 = vector.load %arg3[%get3A_86, %get3A_87] : memref<256x32xi32, #tpu.memory_space<vmem>>, vector<256x32xi32>
      %select_n3A_89 = arith.select %eq3A_83, %add3A_85, %get3A_88 : vector<256x32xi1>, vector<256x32xi32>
      %swap3A = arith.constant 0 : index
      %swap3A_90 = arith.constant 0 : index
      %swap3A_91 = vector.load %arg3[%swap3A, %swap3A_90] : memref<256x32xi32, #tpu.memory_space<vmem>>, vector<256x32xi32>
      tpu.vector_store %arg3[%swap3A, %swap3A_90], %select_n3A_89 {strides = array<i32>} : memref<256x32xi32, #tpu.memory_space<vmem>>, vector<256x32xi32>,
      %eq3A_92 = vector.broadcast %broadcast_in_dim3A_81 : vector<256x1xi32> to vector<256x4096xi32>
      %eq3A_93 = arith.cmpi eq, %iota3A, %eq3A_92 : vector<256x4096xi32>
      %broadcast_in_dim3A_94 = vector.broadcast %scan3A : f32 to vector<256x4096xf32>
      %select_n3A_95 = arith.select %eq3A_93, %broadcast_in_dim3A_94, %scan3A_75 : vector<256x4096xi1>, vector<256x4096xf32>
      %scan3A_96 = arith.constant 1 : i32
      %scan3A_97 = arith.addi %scan3A_74, %scan3A_96 : i32
      %reduce_min3A_98 = arith.constant dense<0x7F800000> : vector<256xf32>
      %reduce_min3A_99 = vector.multi_reduction <minimumf>, %select_n3A_95, %reduce_min3A_98 [1] : vector<256x4096xf32> to vector<256xf32>
      %broadcast_in_dim3A_100 = vector.shape_cast %reduce_min3A_99 : vector<256xf32> to vector<256x1xf32>
      %eq3A_101 = vector.broadcast %broadcast_in_dim3A_100 : vector<256x1xf32> to vector<256x4096xf32>
      %eq3A_102 = arith.cmpf oeq, %select_n3A_95, %eq3A_101 : vector<256x4096xf32>
      %jit3A_103 = arith.constant 4096 : i32
      %broadcast_in_dim3A_104 = vector.broadcast %jit3A_103 : i32 to vector<256x4096xi32>
      %select_n3A_105 = arith.select %eq3A_102, %iota3A, %broadcast_in_dim3A_104 : vector<256x4096xi1>, vector<256x4096xi32>
      %reduce_min3A_106 = arith.constant dense<2147483647> : vector<256xi32>
      %reduce_min3A_107 = vector.multi_reduction <minsi>, %select_n3A_105, %reduce_min3A_106 [1] : vector<256x4096xi32> to vector<256xi32>
      %broadcast_in_dim3A_108 = vector.shape_cast %reduce_min3A_107 : vector<256xi32> to vector<256x1xi32>
      %eq3A_109 = vector.broadcast %scan3A_97 : i32 to vector<256x32xi32>
      %eq3A_110 = arith.cmpi eq, %iota3A_59, %eq3A_109 : vector<256x32xi32>
      %add3A_111 = vector.broadcast %broadcast_in_dim3A_108 : vector<256x1xi32> to vector<256x32xi32>
      %add3A_112 = arith.addi %add3A_111, %add3A_67 : vector<256x32xi32>
      %get3A_113 = arith.constant 0 : index
      %get3A_114 = arith.constant 0 : index
      %get3A_115 = vector.load %arg3[%get3A_113, %get3A_114] : memref<256x32xi32, #tpu.memory_space<vmem>>, vector<256x32xi32>
      %select_n3A_116 = arith.select %eq3A_110, %add3A_112, %get3A_115 : vector<256x32xi1>, vector<256x32xi32>
      %swap3A_117 = arith.constant 0 : index
      %swap3A_118 = arith.constant 0 : index
      %swap3A_119 = vector.load %arg3[%swap3A_117, %swap3A_118] : memref<256x32xi32, #tpu.memory_space<vmem>>, vector<256x32xi32>
      tpu.vector_store %arg3[%swap3A_117, %swap3A_118], %select_n3A_116 {strides = array<i32>} : memref<256x32xi32, #tpu.memory_space<vmem>>, vector<256x32xi32>,
      %eq3A_120 = vector.broadcast %broadcast_in_dim3A_108 : vector<256x1xi32> to vector<256x4096xi32>
      %eq3A_121 = arith.cmpi eq, %iota3A, %eq3A_120 : vector<256x4096xi32>
      %broadcast_in_dim3A_122 = vector.broadcast %scan3A : f32 to vector<256x4096xf32>
      %select_n3A_123 = arith.select %eq3A_121, %broadcast_in_dim3A_122, %select_n3A_95 : vector<256x4096xi1>, vector<256x4096xf32>
      %scan3A_124 = arith.constant 2 : i32
      %scan3A_125 = arith.addi %scan3A_74, %scan3A_124 : i32
      %reduce_min3A_126 = arith.constant dense<0x7F800000> : vector<256xf32>
      %reduce_min3A_127 = vector.multi_reduction <minimumf>, %select_n3A_123, %reduce_min3A_126 [1] : vector<256x4096xf32> to vector<256xf32>
      %broadcast_in_dim3A_128 = vector.shape_cast %reduce_min3A_127 : vector<256xf32> to vector<256x1xf32>
      %eq3A_129 = vector.broadcast %broadcast_in_dim3A_128 : vector<256x1xf32> to vector<256x4096xf32>
      %eq3A_130 = arith.cmpf oeq, %select_n3A_123, %eq3A_129 : vector<256x4096xf32>
      %jit3A_131 = arith.constant 4096 : i32
      %broadcast_in_dim3A_132 = vector.broadcast %jit3A_131 : i32 to vector<256x4096xi32>
      %select_n3A_133 = arith.select %eq3A_130, %iota3A, %broadcast_in_dim3A_132 : vector<256x4096xi1>, vector<256x4096xi32>
      %reduce_min3A_134 = arith.constant dense<2147483647> : vector<256xi32>
      %reduce_min3A_135 = vector.multi_reduction <minsi>, %select_n3A_133, %reduce_min3A_134 [1] : vector<256x4096xi32> to vector<256xi32>
      %broadcast_in_dim3A_136 = vector.shape_cast %reduce_min3A_135 : vector<256xi32> to vector<256x1xi32>
      %eq3A_137 = vector.broadcast %scan3A_125 : i32 to vector<256x32xi32>
      %eq3A_138 = arith.cmpi eq, %iota3A_59, %eq3A_137 : vector<256x32xi32>
      %add3A_139 = vector.broadcast %broadcast_in_dim3A_136 : vector<256x1xi32> to vector<256x32xi32>
      %add3A_140 = arith.addi %add3A_139, %add3A_67 : vector<256x32xi32>
      %get3A_141 = arith.constant 0 : index
      %get3A_142 = arith.constant 0 : index
      %get3A_143 = vector.load %arg3[%get3A_141, %get3A_142] : memref<256x32xi32, #tpu.memory_space<vmem>>, vector<256x32xi32>
      %select_n3A_144 = arith.select %eq3A_138, %add3A_140, %get3A_143 : vector<256x32xi1>, vector<256x32xi32>
      %swap3A_145 = arith.constant 0 : index
      %swap3A_146 = arith.constant 0 : index
      %swap3A_147 = vector.load %arg3[%swap3A_145, %swap3A_146] : memref<256x32xi32, #tpu.memory_space<vmem>>, vector<256x32xi32>
      tpu.vector_store %arg3[%swap3A_145, %swap3A_146], %select_n3A_144 {strides = array<i32>} : memref<256x32xi32, #tpu.memory_space<vmem>>, vector<256x32xi32>,
      %eq3A_148 = vector.broadcast %broadcast_in_dim3A_136 : vector<256x1xi32> to vector<256x4096xi32>
      %eq3A_149 = arith.cmpi eq, %iota3A, %eq3A_148 : vector<256x4096xi32>
      %broadcast_in_dim3A_150 = vector.broadcast %scan3A : f32 to vector<256x4096xf32>
      %select_n3A_151 = arith.select %eq3A_149, %broadcast_in_dim3A_150, %select_n3A_123 : vector<256x4096xi1>, vector<256x4096xf32>
      %scan3A_152 = arith.constant 3 : i32
      %scan3A_153 = arith.addi %scan3A_74, %scan3A_152 : i32
      %reduce_min3A_154 = arith.constant dense<0x7F800000> : vector<256xf32>
      %reduce_min3A_155 = vector.multi_reduction <minimumf>, %select_n3A_151, %reduce_min3A_154 [1] : vector<256x4096xf32> to vector<256xf32>
      %broadcast_in_dim3A_156 = vector.shape_cast %reduce_min3A_155 : vector<256xf32> to vector<256x1xf32>
      %eq3A_157 = vector.broadcast %broadcast_in_dim3A_156 : vector<256x1xf32> to vector<256x4096xf32>
      %eq3A_158 = arith.cmpf oeq, %select_n3A_151, %eq3A_157 : vector<256x4096xf32>
      %jit3A_159 = arith.constant 4096 : i32
      %broadcast_in_dim3A_160 = vector.broadcast %jit3A_159 : i32 to vector<256x4096xi32>
      %select_n3A_161 = arith.select %eq3A_158, %iota3A, %broadcast_in_dim3A_160 : vector<256x4096xi1>, vector<256x4096xi32>
      %reduce_min3A_162 = arith.constant dense<2147483647> : vector<256xi32>
      %reduce_min3A_163 = vector.multi_reduction <minsi>, %select_n3A_161, %reduce_min3A_162 [1] : vector<256x4096xi32> to vector<256xi32>
      %broadcast_in_dim3A_164 = vector.shape_cast %reduce_min3A_163 : vector<256xi32> to vector<256x1xi32>
      %eq3A_165 = vector.broadcast %scan3A_153 : i32 to vector<256x32xi32>
      %eq3A_166 = arith.cmpi eq, %iota3A_59, %eq3A_165 : vector<256x32xi32>
      %add3A_167 = vector.broadcast %broadcast_in_dim3A_164 : vector<256x1xi32> to vector<256x32xi32>
      %add3A_168 = arith.addi %add3A_167, %add3A_67 : vector<256x32xi32>
      %get3A_169 = arith.constant 0 : index
      %get3A_170 = arith.constant 0 : index
      %get3A_171 = vector.load %arg3[%get3A_169, %get3A_170] : memref<256x32xi32, #tpu.memory_space<vmem>>, vector<256x32xi32>
      %select_n3A_172 = arith.select %eq3A_166, %add3A_168, %get3A_171 : vector<256x32xi1>, vector<256x32xi32>
      %swap3A_173 = arith.constant 0 : index
      %swap3A_174 = arith.constant 0 : index
      %swap3A_175 = vector.load %arg3[%swap3A_173, %swap3A_174] : memref<256x32xi32, #tpu.memory_space<vmem>>, vector<256x32xi32>
      tpu.vector_store %arg3[%swap3A_173, %swap3A_174], %select_n3A_172 {strides = array<i32>} : memref<256x32xi32, #tpu.memory_space<vmem>>, vector<256x32xi32>,
      %eq3A_176 = vector.broadcast %broadcast_in_dim3A_164 : vector<256x1xi32> to vector<256x4096xi32>
      %eq3A_177 = arith.cmpi eq, %iota3A, %eq3A_176 : vector<256x4096xi32>
      %broadcast_in_dim3A_178 = vector.broadcast %scan3A : f32 to vector<256x4096xf32>
      %select_n3A_179 = arith.select %eq3A_177, %broadcast_in_dim3A_178, %select_n3A_151 : vector<256x4096xi1>, vector<256x4096xf32>
      %scan3A_180 = arith.constant 4 : i32
      %scan3A_181 = arith.addi %scan3A_74, %scan3A_180 : i32
      %reduce_min3A_182 = arith.constant dense<0x7F800000> : vector<256xf32>
      %reduce_min3A_183 = vector.multi_reduction <minimumf>, %select_n3A_179, %reduce_min3A_182 [1] : vector<256x4096xf32> to vector<256xf32>
      %broadcast_in_dim3A_184 = vector.shape_cast %reduce_min3A_183 : vector<256xf32> to vector<256x1xf32>
      %eq3A_185 = vector.broadcast %broadcast_in_dim3A_184 : vector<256x1xf32> to vector<256x4096xf32>
      %eq3A_186 = arith.cmpf oeq, %select_n3A_179, %eq3A_185 : vector<256x4096xf32>
      %jit3A_187 = arith.constant 4096 : i32
      %broadcast_in_dim3A_188 = vector.broadcast %jit3A_187 : i32 to vector<256x4096xi32>
      %select_n3A_189 = arith.select %eq3A_186, %iota3A, %broadcast_in_dim3A_188 : vector<256x4096xi1>, vector<256x4096xi32>
      %reduce_min3A_190 = arith.constant dense<2147483647> : vector<256xi32>
      %reduce_min3A_191 = vector.multi_reduction <minsi>, %select_n3A_189, %reduce_min3A_190 [1] : vector<256x4096xi32> to vector<256xi32>
      %broadcast_in_dim3A_192 = vector.shape_cast %reduce_min3A_191 : vector<256xi32> to vector<256x1xi32>
      %eq3A_193 = vector.broadcast %scan3A_181 : i32 to vector<256x32xi32>
      %eq3A_194 = arith.cmpi eq, %iota3A_59, %eq3A_193 : vector<256x32xi32>
      %add3A_195 = vector.broadcast %broadcast_in_dim3A_192 : vector<256x1xi32> to vector<256x32xi32>
      %add3A_196 = arith.addi %add3A_195, %add3A_67 : vector<256x32xi32>
      %get3A_197 = arith.constant 0 : index
      %get3A_198 = arith.constant 0 : index
      %get3A_199 = vector.load %arg3[%get3A_197, %get3A_198] : memref<256x32xi32, #tpu.memory_space<vmem>>, vector<256x32xi32>
      %select_n3A_200 = arith.select %eq3A_194, %add3A_196, %get3A_199 : vector<256x32xi1>, vector<256x32xi32>
      %swap3A_201 = arith.constant 0 : index
      %swap3A_202 = arith.constant 0 : index
      %swap3A_203 = vector.load %arg3[%swap3A_201, %swap3A_202] : memref<256x32xi32, #tpu.memory_space<vmem>>, vector<256x32xi32>
      tpu.vector_store %arg3[%swap3A_201, %swap3A_202], %select_n3A_200 {strides = array<i32>} : memref<256x32xi32, #tpu.memory_space<vmem>>, vector<256x32xi32>,
      %eq3A_204 = vector.broadcast %broadcast_in_dim3A_192 : vector<256x1xi32> to vector<256x4096xi32>
      %eq3A_205 = arith.cmpi eq, %iota3A, %eq3A_204 : vector<256x4096xi32>
      %broadcast_in_dim3A_206 = vector.broadcast %scan3A : f32 to vector<256x4096xf32>
      %select_n3A_207 = arith.select %eq3A_205, %broadcast_in_dim3A_206, %select_n3A_179 : vector<256x4096xi1>, vector<256x4096xf32>
      %scan3A_208 = arith.constant 5 : i32
      %scan3A_209 = arith.addi %scan3A_74, %scan3A_208 : i32
      %reduce_min3A_210 = arith.constant dense<0x7F800000> : vector<256xf32>
      %reduce_min3A_211 = vector.multi_reduction <minimumf>, %select_n3A_207, %reduce_min3A_210 [1] : vector<256x4096xf32> to vector<256xf32>
      %broadcast_in_dim3A_212 = vector.shape_cast %reduce_min3A_211 : vector<256xf32> to vector<256x1xf32>
      %eq3A_213 = vector.broadcast %broadcast_in_dim3A_212 : vector<256x1xf32> to vector<256x4096xf32>
      %eq3A_214 = arith.cmpf oeq, %select_n3A_207, %eq3A_213 : vector<256x4096xf32>
      %jit3A_215 = arith.constant 4096 : i32
      %broadcast_in_dim3A_216 = vector.broadcast %jit3A_215 : i32 to vector<256x4096xi32>
      %select_n3A_217 = arith.select %eq3A_214, %iota3A, %broadcast_in_dim3A_216 : vector<256x4096xi1>, vector<256x4096xi32>
      %reduce_min3A_218 = arith.constant dense<2147483647> : vector<256xi32>
      %reduce_min3A_219 = vector.multi_reduction <minsi>, %select_n3A_217, %reduce_min3A_218 [1] : vector<256x4096xi32> to vector<256xi32>
      %broadcast_in_dim3A_220 = vector.shape_cast %reduce_min3A_219 : vector<256xi32> to vector<256x1xi32>
      %eq3A_221 = vector.broadcast %scan3A_209 : i32 to vector<256x32xi32>
      %eq3A_222 = arith.cmpi eq, %iota3A_59, %eq3A_221 : vector<256x32xi32>
      %add3A_223 = vector.broadcast %broadcast_in_dim3A_220 : vector<256x1xi32> to vector<256x32xi32>
      %add3A_224 = arith.addi %add3A_223, %add3A_67 : vector<256x32xi32>
      %get3A_225 = arith.constant 0 : index
      %get3A_226 = arith.constant 0 : index
      %get3A_227 = vector.load %arg3[%get3A_225, %get3A_226] : memref<256x32xi32, #tpu.memory_space<vmem>>, vector<256x32xi32>
      %select_n3A_228 = arith.select %eq3A_222, %add3A_224, %get3A_227 : vector<256x32xi1>, vector<256x32xi32>
      %swap3A_229 = arith.constant 0 : index
      %swap3A_230 = arith.constant 0 : index
      %swap3A_231 = vector.load %arg3[%swap3A_229, %swap3A_230] : memref<256x32xi32, #tpu.memory_space<vmem>>, vector<256x32xi32>
      tpu.vector_store %arg3[%swap3A_229, %swap3A_230], %select_n3A_228 {strides = array<i32>} : memref<256x32xi32, #tpu.memory_space<vmem>>, vector<256x32xi32>,
      %eq3A_232 = vector.broadcast %broadcast_in_dim3A_220 : vector<256x1xi32> to vector<256x4096xi32>
      %eq3A_233 = arith.cmpi eq, %iota3A, %eq3A_232 : vector<256x4096xi32>
      %broadcast_in_dim3A_234 = vector.broadcast %scan3A : f32 to vector<256x4096xf32>
      %select_n3A_235 = arith.select %eq3A_233, %broadcast_in_dim3A_234, %select_n3A_207 : vector<256x4096xi1>, vector<256x4096xf32>
      %scan3A_236 = arith.constant 6 : i32
      %scan3A_237 = arith.addi %scan3A_74, %scan3A_236 : i32
      %reduce_min3A_238 = arith.constant dense<0x7F800000> : vector<256xf32>
      %reduce_min3A_239 = vector.multi_reduction <minimumf>, %select_n3A_235, %reduce_min3A_238 [1] : vector<256x4096xf32> to vector<256xf32>
      %broadcast_in_dim3A_240 = vector.shape_cast %reduce_min3A_239 : vector<256xf32> to vector<256x1xf32>
      %eq3A_241 = vector.broadcast %broadcast_in_dim3A_240 : vector<256x1xf32> to vector<256x4096xf32>
      %eq3A_242 = arith.cmpf oeq, %select_n3A_235, %eq3A_241 : vector<256x4096xf32>
      %jit3A_243 = arith.constant 4096 : i32
      %broadcast_in_dim3A_244 = vector.broadcast %jit3A_243 : i32 to vector<256x4096xi32>
      %select_n3A_245 = arith.select %eq3A_242, %iota3A, %broadcast_in_dim3A_244 : vector<256x4096xi1>, vector<256x4096xi32>
      %reduce_min3A_246 = arith.constant dense<2147483647> : vector<256xi32>
      %reduce_min3A_247 = vector.multi_reduction <minsi>, %select_n3A_245, %reduce_min3A_246 [1] : vector<256x4096xi32> to vector<256xi32>
      %broadcast_in_dim3A_248 = vector.shape_cast %reduce_min3A_247 : vector<256xi32> to vector<256x1xi32>
      %eq3A_249 = vector.broadcast %scan3A_237 : i32 to vector<256x32xi32>
      %eq3A_250 = arith.cmpi eq, %iota3A_59, %eq3A_249 : vector<256x32xi32>
      %add3A_251 = vector.broadcast %broadcast_in_dim3A_248 : vector<256x1xi32> to vector<256x32xi32>
      %add3A_252 = arith.addi %add3A_251, %add3A_67 : vector<256x32xi32>
      %get3A_253 = arith.constant 0 : index
      %get3A_254 = arith.constant 0 : index
      %get3A_255 = vector.load %arg3[%get3A_253, %get3A_254] : memref<256x32xi32, #tpu.memory_space<vmem>>, vector<256x32xi32>
      %select_n3A_256 = arith.select %eq3A_250, %add3A_252, %get3A_255 : vector<256x32xi1>, vector<256x32xi32>
      %swap3A_257 = arith.constant 0 : index
      %swap3A_258 = arith.constant 0 : index
      %swap3A_259 = vector.load %arg3[%swap3A_257, %swap3A_258] : memref<256x32xi32, #tpu.memory_space<vmem>>, vector<256x32xi32>
      tpu.vector_store %arg3[%swap3A_257, %swap3A_258], %select_n3A_256 {strides = array<i32>} : memref<256x32xi32, #tpu.memory_space<vmem>>, vector<256x32xi32>,
      %eq3A_260 = vector.broadcast %broadcast_in_dim3A_248 : vector<256x1xi32> to vector<256x4096xi32>
      %eq3A_261 = arith.cmpi eq, %iota3A, %eq3A_260 : vector<256x4096xi32>
      %broadcast_in_dim3A_262 = vector.broadcast %scan3A : f32 to vector<256x4096xf32>
      %select_n3A_263 = arith.select %eq3A_261, %broadcast_in_dim3A_262, %select_n3A_235 : vector<256x4096xi1>, vector<256x4096xf32>
      %scan3A_264 = arith.constant 7 : i32
      %scan3A_265 = arith.addi %scan3A_74, %scan3A_264 : i32
      %reduce_min3A_266 = arith.constant dense<0x7F800000> : vector<256xf32>
      %reduce_min3A_267 = vector.multi_reduction <minimumf>, %select_n3A_263, %reduce_min3A_266 [1] : vector<256x4096xf32> to vector<256xf32>
      %broadcast_in_dim3A_268 = vector.shape_cast %reduce_min3A_267 : vector<256xf32> to vector<256x1xf32>
      %eq3A_269 = vector.broadcast %broadcast_in_dim3A_268 : vector<256x1xf32> to vector<256x4096xf32>
      %eq3A_270 = arith.cmpf oeq, %select_n3A_263, %eq3A_269 : vector<256x4096xf32>
      %jit3A_271 = arith.constant 4096 : i32
      %broadcast_in_dim3A_272 = vector.broadcast %jit3A_271 : i32 to vector<256x4096xi32>
      %select_n3A_273 = arith.select %eq3A_270, %iota3A, %broadcast_in_dim3A_272 : vector<256x4096xi1>, vector<256x4096xi32>
      %reduce_min3A_274 = arith.constant dense<2147483647> : vector<256xi32>
      %reduce_min3A_275 = vector.multi_reduction <minsi>, %select_n3A_273, %reduce_min3A_274 [1] : vector<256x4096xi32> to vector<256xi32>
      %broadcast_in_dim3A_276 = vector.shape_cast %reduce_min3A_275 : vector<256xi32> to vector<256x1xi32>
      %eq3A_277 = vector.broadcast %scan3A_265 : i32 to vector<256x32xi32>
      %eq3A_278 = arith.cmpi eq, %iota3A_59, %eq3A_277 : vector<256x32xi32>
      %add3A_279 = vector.broadcast %broadcast_in_dim3A_276 : vector<256x1xi32> to vector<256x32xi32>
      %add3A_280 = arith.addi %add3A_279, %add3A_67 : vector<256x32xi32>
      %get3A_281 = arith.constant 0 : index
      %get3A_282 = arith.constant 0 : index
      %get3A_283 = vector.load %arg3[%get3A_281, %get3A_282] : memref<256x32xi32, #tpu.memory_space<vmem>>, vector<256x32xi32>
      %select_n3A_284 = arith.select %eq3A_278, %add3A_280, %get3A_283 : vector<256x32xi1>, vector<256x32xi32>
      %swap3A_285 = arith.constant 0 : index
      %swap3A_286 = arith.constant 0 : index
      %swap3A_287 = vector.load %arg3[%swap3A_285, %swap3A_286] : memref<256x32xi32, #tpu.memory_space<vmem>>, vector<256x32xi32>
      tpu.vector_store %arg3[%swap3A_285, %swap3A_286], %select_n3A_284 {strides = array<i32>} : memref<256x32xi32, #tpu.memory_space<vmem>>, vector<256x32xi32>,
      %eq3A_288 = vector.broadcast %broadcast_in_dim3A_276 : vector<256x1xi32> to vector<256x4096xi32>
      %eq3A_289 = arith.cmpi eq, %iota3A, %eq3A_288 : vector<256x4096xi32>
      %broadcast_in_dim3A_290 = vector.broadcast %scan3A : f32 to vector<256x4096xf32>
      %select_n3A_291 = arith.select %eq3A_289, %broadcast_in_dim3A_290, %select_n3A_263 : vector<256x4096xi1>, vector<256x4096xf32>
      %scan3A_292 = arith.constant 8 : i32
      %scan3A_293 = arith.addi %scan3A_74, %scan3A_292 : i32
      %reduce_min3A_294 = arith.constant dense<0x7F800000> : vector<256xf32>
      %reduce_min3A_295 = vector.multi_reduction <minimumf>, %select_n3A_291, %reduce_min3A_294 [1] : vector<256x4096xf32> to vector<256xf32>
      %broadcast_in_dim3A_296 = vector.shape_cast %reduce_min3A_295 : vector<256xf32> to vector<256x1xf32>
      %eq3A_297 = vector.broadcast %broadcast_in_dim3A_296 : vector<256x1xf32> to vector<256x4096xf32>
      %eq3A_298 = arith.cmpf oeq, %select_n3A_291, %eq3A_297 : vector<256x4096xf32>
      %jit3A_299 = arith.constant 4096 : i32
      %broadcast_in_dim3A_300 = vector.broadcast %jit3A_299 : i32 to vector<256x4096xi32>
      %select_n3A_301 = arith.select %eq3A_298, %iota3A, %broadcast_in_dim3A_300 : vector<256x4096xi1>, vector<256x4096xi32>
      %reduce_min3A_302 = arith.constant dense<2147483647> : vector<256xi32>
      %reduce_min3A_303 = vector.multi_reduction <minsi>, %select_n3A_301, %reduce_min3A_302 [1] : vector<256x4096xi32> to vector<256xi32>
      %broadcast_in_dim3A_304 = vector.shape_cast %reduce_min3A_303 : vector<256xi32> to vector<256x1xi32>
      %eq3A_305 = vector.broadcast %scan3A_293 : i32 to vector<256x32xi32>
      %eq3A_306 = arith.cmpi eq, %iota3A_59, %eq3A_305 : vector<256x32xi32>
      %add3A_307 = vector.broadcast %broadcast_in_dim3A_304 : vector<256x1xi32> to vector<256x32xi32>
      %add3A_308 = arith.addi %add3A_307, %add3A_67 : vector<256x32xi32>
      %get3A_309 = arith.constant 0 : index
      %get3A_310 = arith.constant 0 : index
      %get3A_311 = vector.load %arg3[%get3A_309, %get3A_310] : memref<256x32xi32, #tpu.memory_space<vmem>>, vector<256x32xi32>
      %select_n3A_312 = arith.select %eq3A_306, %add3A_308, %get3A_311 : vector<256x32xi1>, vector<256x32xi32>
      %swap3A_313 = arith.constant 0 : index
      %swap3A_314 = arith.constant 0 : index
      %swap3A_315 = vector.load %arg3[%swap3A_313, %swap3A_314] : memref<256x32xi32, #tpu.memory_space<vmem>>, vector<256x32xi32>
      tpu.vector_store %arg3[%swap3A_313, %swap3A_314], %select_n3A_312 {strides = array<i32>} : memref<256x32xi32, #tpu.memory_space<vmem>>, vector<256x32xi32>,
      %eq3A_316 = vector.broadcast %broadcast_in_dim3A_304 : vector<256x1xi32> to vector<256x4096xi32>
      %eq3A_317 = arith.cmpi eq, %iota3A, %eq3A_316 : vector<256x4096xi32>
      %broadcast_in_dim3A_318 = vector.broadcast %scan3A : f32 to vector<256x4096xf32>
      %select_n3A_319 = arith.select %eq3A_317, %broadcast_in_dim3A_318, %select_n3A_291 : vector<256x4096xi1>, vector<256x4096xf32>
      %scan3A_320 = arith.constant 9 : i32
      %scan3A_321 = arith.addi %scan3A_74, %scan3A_320 : i32
      %reduce_min3A_322 = arith.constant dense<0x7F800000> : vector<256xf32>
      %reduce_min3A_323 = vector.multi_reduction <minimumf>, %select_n3A_319, %reduce_min3A_322 [1] : vector<256x4096xf32> to vector<256xf32>
      %broadcast_in_dim3A_324 = vector.shape_cast %reduce_min3A_323 : vector<256xf32> to vector<256x1xf32>
      %eq3A_325 = vector.broadcast %broadcast_in_dim3A_324 : vector<256x1xf32> to vector<256x4096xf32>
      %eq3A_326 = arith.cmpf oeq, %select_n3A_319, %eq3A_325 : vector<256x4096xf32>
      %jit3A_327 = arith.constant 4096 : i32
      %broadcast_in_dim3A_328 = vector.broadcast %jit3A_327 : i32 to vector<256x4096xi32>
      %select_n3A_329 = arith.select %eq3A_326, %iota3A, %broadcast_in_dim3A_328 : vector<256x4096xi1>, vector<256x4096xi32>
      %reduce_min3A_330 = arith.constant dense<2147483647> : vector<256xi32>
      %reduce_min3A_331 = vector.multi_reduction <minsi>, %select_n3A_329, %reduce_min3A_330 [1] : vector<256x4096xi32> to vector<256xi32>
      %broadcast_in_dim3A_332 = vector.shape_cast %reduce_min3A_331 : vector<256xi32> to vector<256x1xi32>
      %eq3A_333 = vector.broadcast %scan3A_321 : i32 to vector<256x32xi32>
      %eq3A_334 = arith.cmpi eq, %iota3A_59, %eq3A_333 : vector<256x32xi32>
      %add3A_335 = vector.broadcast %broadcast_in_dim3A_332 : vector<256x1xi32> to vector<256x32xi32>
      %add3A_336 = arith.addi %add3A_335, %add3A_67 : vector<256x32xi32>
      %get3A_337 = arith.constant 0 : index
      %get3A_338 = arith.constant 0 : index
      %get3A_339 = vector.load %arg3[%get3A_337, %get3A_338] : memref<256x32xi32, #tpu.memory_space<vmem>>, vector<256x32xi32>
      %select_n3A_340 = arith.select %eq3A_334, %add3A_336, %get3A_339 : vector<256x32xi1>, vector<256x32xi32>
      %swap3A_341 = arith.constant 0 : index
      %swap3A_342 = arith.constant 0 : index
      %swap3A_343 = vector.load %arg3[%swap3A_341, %swap3A_342] : memref<256x32xi32, #tpu.memory_space<vmem>>, vector<256x32xi32>
      tpu.vector_store %arg3[%swap3A_341, %swap3A_342], %select_n3A_340 {strides = array<i32>} : memref<256x32xi32, #tpu.memory_space<vmem>>, vector<256x32xi32>,
      %eq3A_344 = vector.broadcast %broadcast_in_dim3A_332 : vector<256x1xi32> to vector<256x4096xi32>
      %eq3A_345 = arith.cmpi eq, %iota3A, %eq3A_344 : vector<256x4096xi32>
      %broadcast_in_dim3A_346 = vector.broadcast %scan3A : f32 to vector<256x4096xf32>
      %select_n3A_347 = arith.select %eq3A_345, %broadcast_in_dim3A_346, %select_n3A_319 : vector<256x4096xi1>, vector<256x4096xf32>
      %scan3A_348 = arith.constant 10 : i32
      %scan3A_349 = arith.addi %scan3A_74, %scan3A_348 : i32
      %reduce_min3A_350 = arith.constant dense<0x7F800000> : vector<256xf32>
      %reduce_min3A_351 = vector.multi_reduction <minimumf>, %select_n3A_347, %reduce_min3A_350 [1] : vector<256x4096xf32> to vector<256xf32>
      %broadcast_in_dim3A_352 = vector.shape_cast %reduce_min3A_351 : vector<256xf32> to vector<256x1xf32>
      %eq3A_353 = vector.broadcast %broadcast_in_dim3A_352 : vector<256x1xf32> to vector<256x4096xf32>
      %eq3A_354 = arith.cmpf oeq, %select_n3A_347, %eq3A_353 : vector<256x4096xf32>
      %jit3A_355 = arith.constant 4096 : i32
      %broadcast_in_dim3A_356 = vector.broadcast %jit3A_355 : i32 to vector<256x4096xi32>
      %select_n3A_357 = arith.select %eq3A_354, %iota3A, %broadcast_in_dim3A_356 : vector<256x4096xi1>, vector<256x4096xi32>
      %reduce_min3A_358 = arith.constant dense<2147483647> : vector<256xi32>
      %reduce_min3A_359 = vector.multi_reduction <minsi>, %select_n3A_357, %reduce_min3A_358 [1] : vector<256x4096xi32> to vector<256xi32>
      %broadcast_in_dim3A_360 = vector.shape_cast %reduce_min3A_359 : vector<256xi32> to vector<256x1xi32>
      %eq3A_361 = vector.broadcast %scan3A_349 : i32 to vector<256x32xi32>
      %eq3A_362 = arith.cmpi eq, %iota3A_59, %eq3A_361 : vector<256x32xi32>
      %add3A_363 = vector.broadcast %broadcast_in_dim3A_360 : vector<256x1xi32> to vector<256x32xi32>
      %add3A_364 = arith.addi %add3A_363, %add3A_67 : vector<256x32xi32>
      %get3A_365 = arith.constant 0 : index
      %get3A_366 = arith.constant 0 : index
      %get3A_367 = vector.load %arg3[%get3A_365, %get3A_366] : memref<256x32xi32, #tpu.memory_space<vmem>>, vector<256x32xi32>
      %select_n3A_368 = arith.select %eq3A_362, %add3A_364, %get3A_367 : vector<256x32xi1>, vector<256x32xi32>
      %swap3A_369 = arith.constant 0 : index
      %swap3A_370 = arith.constant 0 : index
      %swap3A_371 = vector.load %arg3[%swap3A_369, %swap3A_370] : memref<256x32xi32, #tpu.memory_space<vmem>>, vector<256x32xi32>
      tpu.vector_store %arg3[%swap3A_369, %swap3A_370], %select_n3A_368 {strides = array<i32>} : memref<256x32xi32, #tpu.memory_space<vmem>>, vector<256x32xi32>,
      %eq3A_372 = vector.broadcast %broadcast_in_dim3A_360 : vector<256x1xi32> to vector<256x4096xi32>
      %eq3A_373 = arith.cmpi eq, %iota3A, %eq3A_372 : vector<256x4096xi32>
      %broadcast_in_dim3A_374 = vector.broadcast %scan3A : f32 to vector<256x4096xf32>
      %select_n3A_375 = arith.select %eq3A_373, %broadcast_in_dim3A_374, %select_n3A_347 : vector<256x4096xi1>, vector<256x4096xf32>
      %scan3A_376 = arith.constant 11 : i32
      %scan3A_377 = arith.addi %scan3A_74, %scan3A_376 : i32
      %reduce_min3A_378 = arith.constant dense<0x7F800000> : vector<256xf32>
      %reduce_min3A_379 = vector.multi_reduction <minimumf>, %select_n3A_375, %reduce_min3A_378 [1] : vector<256x4096xf32> to vector<256xf32>
      %broadcast_in_dim3A_380 = vector.shape_cast %reduce_min3A_379 : vector<256xf32> to vector<256x1xf32>
      %eq3A_381 = vector.broadcast %broadcast_in_dim3A_380 : vector<256x1xf32> to vector<256x4096xf32>
      %eq3A_382 = arith.cmpf oeq, %select_n3A_375, %eq3A_381 : vector<256x4096xf32>
      %jit3A_383 = arith.constant 4096 : i32
      %broadcast_in_dim3A_384 = vector.broadcast %jit3A_383 : i32 to vector<256x4096xi32>
      %select_n3A_385 = arith.select %eq3A_382, %iota3A, %broadcast_in_dim3A_384 : vector<256x4096xi1>, vector<256x4096xi32>
      %reduce_min3A_386 = arith.constant dense<2147483647> : vector<256xi32>
      %reduce_min3A_387 = vector.multi_reduction <minsi>, %select_n3A_385, %reduce_min3A_386 [1] : vector<256x4096xi32> to vector<256xi32>
      %broadcast_in_dim3A_388 = vector.shape_cast %reduce_min3A_387 : vector<256xi32> to vector<256x1xi32>
      %eq3A_389 = vector.broadcast %scan3A_377 : i32 to vector<256x32xi32>
      %eq3A_390 = arith.cmpi eq, %iota3A_59, %eq3A_389 : vector<256x32xi32>
      %add3A_391 = vector.broadcast %broadcast_in_dim3A_388 : vector<256x1xi32> to vector<256x32xi32>
      %add3A_392 = arith.addi %add3A_391, %add3A_67 : vector<256x32xi32>
      %get3A_393 = arith.constant 0 : index
      %get3A_394 = arith.constant 0 : index
      %get3A_395 = vector.load %arg3[%get3A_393, %get3A_394] : memref<256x32xi32, #tpu.memory_space<vmem>>, vector<256x32xi32>
      %select_n3A_396 = arith.select %eq3A_390, %add3A_392, %get3A_395 : vector<256x32xi1>, vector<256x32xi32>
      %swap3A_397 = arith.constant 0 : index
      %swap3A_398 = arith.constant 0 : index
      %swap3A_399 = vector.load %arg3[%swap3A_397, %swap3A_398] : memref<256x32xi32, #tpu.memory_space<vmem>>, vector<256x32xi32>
      tpu.vector_store %arg3[%swap3A_397, %swap3A_398], %select_n3A_396 {strides = array<i32>} : memref<256x32xi32, #tpu.memory_space<vmem>>, vector<256x32xi32>,
      %eq3A_400 = vector.broadcast %broadcast_in_dim3A_388 : vector<256x1xi32> to vector<256x4096xi32>
      %eq3A_401 = arith.cmpi eq, %iota3A, %eq3A_400 : vector<256x4096xi32>
      %broadcast_in_dim3A_402 = vector.broadcast %scan3A : f32 to vector<256x4096xf32>
      %select_n3A_403 = arith.select %eq3A_401, %broadcast_in_dim3A_402, %select_n3A_375 : vector<256x4096xi1>, vector<256x4096xf32>
      %scan3A_404 = arith.constant 12 : i32
      %scan3A_405 = arith.addi %scan3A_74, %scan3A_404 : i32
      %reduce_min3A_406 = arith.constant dense<0x7F800000> : vector<256xf32>
      %reduce_min3A_407 = vector.multi_reduction <minimumf>, %select_n3A_403, %reduce_min3A_406 [1] : vector<256x4096xf32> to vector<256xf32>
      %broadcast_in_dim3A_408 = vector.shape_cast %reduce_min3A_407 : vector<256xf32> to vector<256x1xf32>
      %eq3A_409 = vector.broadcast %broadcast_in_dim3A_408 : vector<256x1xf32> to vector<256x4096xf32>
      %eq3A_410 = arith.cmpf oeq, %select_n3A_403, %eq3A_409 : vector<256x4096xf32>
      %jit3A_411 = arith.constant 4096 : i32
      %broadcast_in_dim3A_412 = vector.broadcast %jit3A_411 : i32 to vector<256x4096xi32>
      %select_n3A_413 = arith.select %eq3A_410, %iota3A, %broadcast_in_dim3A_412 : vector<256x4096xi1>, vector<256x4096xi32>
      %reduce_min3A_414 = arith.constant dense<2147483647> : vector<256xi32>
      %reduce_min3A_415 = vector.multi_reduction <minsi>, %select_n3A_413, %reduce_min3A_414 [1] : vector<256x4096xi32> to vector<256xi32>
      %broadcast_in_dim3A_416 = vector.shape_cast %reduce_min3A_415 : vector<256xi32> to vector<256x1xi32>
      %eq3A_417 = vector.broadcast %scan3A_405 : i32 to vector<256x32xi32>
      %eq3A_418 = arith.cmpi eq, %iota3A_59, %eq3A_417 : vector<256x32xi32>
      %add3A_419 = vector.broadcast %broadcast_in_dim3A_416 : vector<256x1xi32> to vector<256x32xi32>
      %add3A_420 = arith.addi %add3A_419, %add3A_67 : vector<256x32xi32>
      %get3A_421 = arith.constant 0 : index
      %get3A_422 = arith.constant 0 : index
      %get3A_423 = vector.load %arg3[%get3A_421, %get3A_422] : memref<256x32xi32, #tpu.memory_space<vmem>>, vector<256x32xi32>
      %select_n3A_424 = arith.select %eq3A_418, %add3A_420, %get3A_423 : vector<256x32xi1>, vector<256x32xi32>
      %swap3A_425 = arith.constant 0 : index
      %swap3A_426 = arith.constant 0 : index
      %swap3A_427 = vector.load %arg3[%swap3A_425, %swap3A_426] : memref<256x32xi32, #tpu.memory_space<vmem>>, vector<256x32xi32>
      tpu.vector_store %arg3[%swap3A_425, %swap3A_426], %select_n3A_424 {strides = array<i32>} : memref<256x32xi32, #tpu.memory_space<vmem>>, vector<256x32xi32>,
      %eq3A_428 = vector.broadcast %broadcast_in_dim3A_416 : vector<256x1xi32> to vector<256x4096xi32>
      %eq3A_429 = arith.cmpi eq, %iota3A, %eq3A_428 : vector<256x4096xi32>
      %broadcast_in_dim3A_430 = vector.broadcast %scan3A : f32 to vector<256x4096xf32>
      %select_n3A_431 = arith.select %eq3A_429, %broadcast_in_dim3A_430, %select_n3A_403 : vector<256x4096xi1>, vector<256x4096xf32>
      %scan3A_432 = arith.constant 13 : i32
      %scan3A_433 = arith.addi %scan3A_74, %scan3A_432 : i32
      %reduce_min3A_434 = arith.constant dense<0x7F800000> : vector<256xf32>
      %reduce_min3A_435 = vector.multi_reduction <minimumf>, %select_n3A_431, %reduce_min3A_434 [1] : vector<256x4096xf32> to vector<256xf32>
      %broadcast_in_dim3A_436 = vector.shape_cast %reduce_min3A_435 : vector<256xf32> to vector<256x1xf32>
      %eq3A_437 = vector.broadcast %broadcast_in_dim3A_436 : vector<256x1xf32> to vector<256x4096xf32>
      %eq3A_438 = arith.cmpf oeq, %select_n3A_431, %eq3A_437 : vector<256x4096xf32>
      %jit3A_439 = arith.constant 4096 : i32
      %broadcast_in_dim3A_440 = vector.broadcast %jit3A_439 : i32 to vector<256x4096xi32>
      %select_n3A_441 = arith.select %eq3A_438, %iota3A, %broadcast_in_dim3A_440 : vector<256x4096xi1>, vector<256x4096xi32>
      %reduce_min3A_442 = arith.constant dense<2147483647> : vector<256xi32>
      %reduce_min3A_443 = vector.multi_reduction <minsi>, %select_n3A_441, %reduce_min3A_442 [1] : vector<256x4096xi32> to vector<256xi32>
      %broadcast_in_dim3A_444 = vector.shape_cast %reduce_min3A_443 : vector<256xi32> to vector<256x1xi32>
      %eq3A_445 = vector.broadcast %scan3A_433 : i32 to vector<256x32xi32>
      %eq3A_446 = arith.cmpi eq, %iota3A_59, %eq3A_445 : vector<256x32xi32>
      %add3A_447 = vector.broadcast %broadcast_in_dim3A_444 : vector<256x1xi32> to vector<256x32xi32>
      %add3A_448 = arith.addi %add3A_447, %add3A_67 : vector<256x32xi32>
      %get3A_449 = arith.constant 0 : index
      %get3A_450 = arith.constant 0 : index
      %get3A_451 = vector.load %arg3[%get3A_449, %get3A_450] : memref<256x32xi32, #tpu.memory_space<vmem>>, vector<256x32xi32>
      %select_n3A_452 = arith.select %eq3A_446, %add3A_448, %get3A_451 : vector<256x32xi1>, vector<256x32xi32>
      %swap3A_453 = arith.constant 0 : index
      %swap3A_454 = arith.constant 0 : index
      %swap3A_455 = vector.load %arg3[%swap3A_453, %swap3A_454] : memref<256x32xi32, #tpu.memory_space<vmem>>, vector<256x32xi32>
      tpu.vector_store %arg3[%swap3A_453, %swap3A_454], %select_n3A_452 {strides = array<i32>} : memref<256x32xi32, #tpu.memory_space<vmem>>, vector<256x32xi32>,
      %eq3A_456 = vector.broadcast %broadcast_in_dim3A_444 : vector<256x1xi32> to vector<256x4096xi32>
      %eq3A_457 = arith.cmpi eq, %iota3A, %eq3A_456 : vector<256x4096xi32>
      %broadcast_in_dim3A_458 = vector.broadcast %scan3A : f32 to vector<256x4096xf32>
      %select_n3A_459 = arith.select %eq3A_457, %broadcast_in_dim3A_458, %select_n3A_431 : vector<256x4096xi1>, vector<256x4096xf32>
      %scan3A_460 = arith.constant 14 : i32
      %scan3A_461 = arith.addi %scan3A_74, %scan3A_460 : i32
      %reduce_min3A_462 = arith.constant dense<0x7F800000> : vector<256xf32>
      %reduce_min3A_463 = vector.multi_reduction <minimumf>, %select_n3A_459, %reduce_min3A_462 [1] : vector<256x4096xf32> to vector<256xf32>
      %broadcast_in_dim3A_464 = vector.shape_cast %reduce_min3A_463 : vector<256xf32> to vector<256x1xf32>
      %eq3A_465 = vector.broadcast %broadcast_in_dim3A_464 : vector<256x1xf32> to vector<256x4096xf32>
      %eq3A_466 = arith.cmpf oeq, %select_n3A_459, %eq3A_465 : vector<256x4096xf32>
      %jit3A_467 = arith.constant 4096 : i32
      %broadcast_in_dim3A_468 = vector.broadcast %jit3A_467 : i32 to vector<256x4096xi32>
      %select_n3A_469 = arith.select %eq3A_466, %iota3A, %broadcast_in_dim3A_468 : vector<256x4096xi1>, vector<256x4096xi32>
      %reduce_min3A_470 = arith.constant dense<2147483647> : vector<256xi32>
      %reduce_min3A_471 = vector.multi_reduction <minsi>, %select_n3A_469, %reduce_min3A_470 [1] : vector<256x4096xi32> to vector<256xi32>
      %broadcast_in_dim3A_472 = vector.shape_cast %reduce_min3A_471 : vector<256xi32> to vector<256x1xi32>
      %eq3A_473 = vector.broadcast %scan3A_461 : i32 to vector<256x32xi32>
      %eq3A_474 = arith.cmpi eq, %iota3A_59, %eq3A_473 : vector<256x32xi32>
      %add3A_475 = vector.broadcast %broadcast_in_dim3A_472 : vector<256x1xi32> to vector<256x32xi32>
      %add3A_476 = arith.addi %add3A_475, %add3A_67 : vector<256x32xi32>
      %get3A_477 = arith.constant 0 : index
      %get3A_478 = arith.constant 0 : index
      %get3A_479 = vector.load %arg3[%get3A_477, %get3A_478] : memref<256x32xi32, #tpu.memory_space<vmem>>, vector<256x32xi32>
      %select_n3A_480 = arith.select %eq3A_474, %add3A_476, %get3A_479 : vector<256x32xi1>, vector<256x32xi32>
      %swap3A_481 = arith.constant 0 : index
      %swap3A_482 = arith.constant 0 : index
      %swap3A_483 = vector.load %arg3[%swap3A_481, %swap3A_482] : memref<256x32xi32, #tpu.memory_space<vmem>>, vector<256x32xi32>
      tpu.vector_store %arg3[%swap3A_481, %swap3A_482], %select_n3A_480 {strides = array<i32>} : memref<256x32xi32, #tpu.memory_space<vmem>>, vector<256x32xi32>,
      %eq3A_484 = vector.broadcast %broadcast_in_dim3A_472 : vector<256x1xi32> to vector<256x4096xi32>
      %eq3A_485 = arith.cmpi eq, %iota3A, %eq3A_484 : vector<256x4096xi32>
      %broadcast_in_dim3A_486 = vector.broadcast %scan3A : f32 to vector<256x4096xf32>
      %select_n3A_487 = arith.select %eq3A_485, %broadcast_in_dim3A_486, %select_n3A_459 : vector<256x4096xi1>, vector<256x4096xf32>
      %scan3A_488 = arith.constant 15 : i32
      %scan3A_489 = arith.addi %scan3A_74, %scan3A_488 : i32
      %reduce_min3A_490 = arith.constant dense<0x7F800000> : vector<256xf32>
      %reduce_min3A_491 = vector.multi_reduction <minimumf>, %select_n3A_487, %reduce_min3A_490 [1] : vector<256x4096xf32> to vector<256xf32>
      %broadcast_in_dim3A_492 = vector.shape_cast %reduce_min3A_491 : vector<256xf32> to vector<256x1xf32>
      %eq3A_493 = vector.broadcast %broadcast_in_dim3A_492 : vector<256x1xf32> to vector<256x4096xf32>
      %eq3A_494 = arith.cmpf oeq, %select_n3A_487, %eq3A_493 : vector<256x4096xf32>
      %jit3A_495 = arith.constant 4096 : i32
      %broadcast_in_dim3A_496 = vector.broadcast %jit3A_495 : i32 to vector<256x4096xi32>
      %select_n3A_497 = arith.select %eq3A_494, %iota3A, %broadcast_in_dim3A_496 : vector<256x4096xi1>, vector<256x4096xi32>
      %reduce_min3A_498 = arith.constant dense<2147483647> : vector<256xi32>
      %reduce_min3A_499 = vector.multi_reduction <minsi>, %select_n3A_497, %reduce_min3A_498 [1] : vector<256x4096xi32> to vector<256xi32>
      %broadcast_in_dim3A_500 = vector.shape_cast %reduce_min3A_499 : vector<256xi32> to vector<256x1xi32>
      %eq3A_501 = vector.broadcast %scan3A_489 : i32 to vector<256x32xi32>
      %eq3A_502 = arith.cmpi eq, %iota3A_59, %eq3A_501 : vector<256x32xi32>
      %add3A_503 = vector.broadcast %broadcast_in_dim3A_500 : vector<256x1xi32> to vector<256x32xi32>
      %add3A_504 = arith.addi %add3A_503, %add3A_67 : vector<256x32xi32>
      %get3A_505 = arith.constant 0 : index
      %get3A_506 = arith.constant 0 : index
      %get3A_507 = vector.load %arg3[%get3A_505, %get3A_506] : memref<256x32xi32, #tpu.memory_space<vmem>>, vector<256x32xi32>
      %select_n3A_508 = arith.select %eq3A_502, %add3A_504, %get3A_507 : vector<256x32xi1>, vector<256x32xi32>
      %swap3A_509 = arith.constant 0 : index
      %swap3A_510 = arith.constant 0 : index
      %swap3A_511 = vector.load %arg3[%swap3A_509, %swap3A_510] : memref<256x32xi32, #tpu.memory_space<vmem>>, vector<256x32xi32>
      tpu.vector_store %arg3[%swap3A_509, %swap3A_510], %select_n3A_508 {strides = array<i32>} : memref<256x32xi32, #tpu.memory_space<vmem>>, vector<256x32xi32>,
      %eq3A_512 = vector.broadcast %broadcast_in_dim3A_500 : vector<256x1xi32> to vector<256x4096xi32>
      %eq3A_513 = arith.cmpi eq, %iota3A, %eq3A_512 : vector<256x4096xi32>
      %broadcast_in_dim3A_514 = vector.broadcast %scan3A : f32 to vector<256x4096xf32>
      %select_n3A_515 = arith.select %eq3A_513, %broadcast_in_dim3A_514, %select_n3A_487 : vector<256x4096xi1>, vector<256x4096xf32>
      scf.yield %select_n3A_515 : vector<256x4096xf32>
    }
    %scan3A_73 = arith.constant 32 : i32
    return
  }
  func.func @transform_0(%arg0: i32) -> (i32, i32) {
    %c0_i32 = arith.constant 0 : i32
    %c0_i32_0 = arith.constant 0 : i32
    return %arg0, %c0_i32 : i32, i32
  }
  func.func @transform_1(%arg0: i32) -> (i32, i32, i32) {
    %jit3A = arith.constant 4 : i32
    %div3A = arith.divsi %arg0, %jit3A : i32
    %sign3A = arith.constant 0 : i32
    %sign3A_0 = arith.cmpi sgt, %arg0, %sign3A : i32
    %sign3A_1 = arith.extui %sign3A_0 : i1 to i32
    %sign3A_2 = arith.constant 0 : i32
    %sign3A_3 = arith.cmpi slt, %arg0, %sign3A_2 : i32
    %sign3A_4 = arith.extui %sign3A_3 : i1 to i32
    %sign3A_5 = arith.subi %sign3A_1, %sign3A_4 : i32
    %sign3A_6 = arith.constant 0 : i32
    %sign3A_7 = arith.cmpi sgt, %jit3A, %sign3A_6 : i32
    %sign3A_8 = arith.extui %sign3A_7 : i1 to i32
    %sign3A_9 = arith.constant 0 : i32
    %sign3A_10 = arith.cmpi slt, %jit3A, %sign3A_9 : i32
    %sign3A_11 = arith.extui %sign3A_10 : i1 to i32
    %sign3A_12 = arith.subi %sign3A_8, %sign3A_11 : i32
    %ne3A = arith.cmpi ne, %sign3A_5, %sign3A_12 : i32
    %rem3A = arith.remsi %arg0, %jit3A : i32
    %ne3A_13 = arith.constant 0 : i32
    %ne3A_14 = arith.cmpi ne, %rem3A, %ne3A_13 : i32
    %and3A = arith.andi %ne3A, %ne3A_14 : i1
    %sub3A = arith.constant 1 : i32
    %sub3A_15 = arith.subi %div3A, %sub3A : i32
    %select_n3A = arith.select %and3A, %sub3A_15, %div3A : i32
    %c0_i32 = arith.constant 0 : i32
    %c0_i32_16 = arith.constant 0 : i32
    %c0_i32_17 = arith.constant 0 : i32
    return %select_n3A, %c0_i32, %c0_i32_16 : i32, i32, i32
  }
  func.func @transform_2(%arg0: i32) -> (i32, i32) {
    %c0_i32 = arith.constant 0 : i32
    %c0_i32_0 = arith.constant 0 : i32
    return %arg0, %c0_i32 : i32, i32
  }
}

module attributes {stable_mosaic.version = 14 : i64} {
  func.func @_sum_body(%arg0: i32, %arg1: memref<256x32x128xf32, #tpu.memory_space<vmem>>, %arg2: memref<256x128xf32, #tpu.memory_space<vmem>>, %arg3: memref<1x128xf32, #tpu.memory_space<vmem>>) attributes {dimension_semantics = [#tpu.dimension_semantics<arbitrary>], iteration_bounds = array<i64: 32>, scalar_prefetch = 0 : i64, scratch_operands = 0 : i64, tpu.core_type = #tpu.core_type<tc>, window_params = [{transform_indices = @transform_0, window_bounds = array<i64: 256, 32, 128>}, {transform_indices = @transform_1, window_bounds = array<i64: 256, 128>}, {pipeline_mode = #tpu.pipeline_mode<synchronous>, transform_indices = @transform_2, window_bounds = array<i64: 1, 128>}]} {
    %get3A = arith.constant 0 : index
    %get3A_0 = arith.constant 0 : index
    %get3A_1 = arith.constant 64 : index
    %get3A_2 = vector.load %arg1[%get3A, %get3A_0, %get3A_1] : memref<256x32x128xf32, #tpu.memory_space<vmem>>, vector<256x32x3xf32>
    %get3A_3 = arith.constant 0 : index
    %get3A_4 = arith.constant 64 : index
    %get3A_5 = vector.load %arg2[%get3A_3, %get3A_4] : memref<256x128xf32, #tpu.memory_space<vmem>>, vector<256x3xf32>
    %broadcast_in_dim3A = vector.shape_cast %get3A_5 : vector<256x3xf32> to vector<256x1x3xf32>
    %sub3A = vector.broadcast %broadcast_in_dim3A : vector<256x1x3xf32> to vector<256x32x3xf32>
    %sub3A_6 = arith.subf %get3A_2, %sub3A : vector<256x32x3xf32>
    %reduce_sum3A = vector.shape_cast %sub3A_6 : vector<256x32x3xf32> to vector<1x256x32x3xf32>
    %reduce_sum3A_7 = arith.constant dense<0.000000e+00> : vector<1xf32>
    %reduce_sum3A_8 = vector.multi_reduction <add>, %reduce_sum3A, %reduce_sum3A_7 [1, 2, 3] : vector<1x256x32x3xf32> to vector<1xf32>
    %reduce_sum3A_9 = vector.shape_cast %reduce_sum3A_8 : vector<1xf32> to vector<1x1x1x1xf32>
    %reduce_sum3A_10 = vector.extract %reduce_sum3A_9[0, 0, 0, 0] : f32 from vector<1x1x1x1xf32>
    %mul3A = arith.mulf %sub3A_6, %sub3A_6 : vector<256x32x3xf32>
    %reduce_sum3A_11 = vector.shape_cast %mul3A : vector<256x32x3xf32> to vector<1x256x32x3xf32>
    %reduce_sum3A_12 = arith.constant dense<0.000000e+00> : vector<1xf32>
    %reduce_sum3A_13 = vector.multi_reduction <add>, %reduce_sum3A_11, %reduce_sum3A_12 [1, 2, 3] : vector<1x256x32x3xf32> to vector<1xf32>
    %reduce_sum3A_14 = vector.shape_cast %reduce_sum3A_13 : vector<1xf32> to vector<1x1x1x1xf32>
    %reduce_sum3A_15 = vector.extract %reduce_sum3A_14[0, 0, 0, 0] : f32 from vector<1x1x1x1xf32>
    %iota3A = tpu.iota {dimensions = array<i32: 1>} : vector<1x128xi32>
    %eq3A = arith.constant 0 : i32
    %eq3A_16 = vector.broadcast %eq3A : i32 to vector<1x128xi32>
    %eq3A_17 = arith.cmpi eq, %iota3A, %eq3A_16 : vector<1x128xi32>
    %eq3A_18 = arith.constant 1 : i32
    %eq3A_19 = vector.broadcast %eq3A_18 : i32 to vector<1x128xi32>
    %eq3A_20 = arith.cmpi eq, %iota3A, %eq3A_19 : vector<1x128xi32>
    %jit3A = arith.constant 0.000000e+00 : f32
    %broadcast_in_dim3A_21 = vector.broadcast %reduce_sum3A_15 : f32 to vector<1x128xf32>
    %broadcast_in_dim3A_22 = vector.broadcast %jit3A : f32 to vector<1x128xf32>
    %select_n3A = arith.select %eq3A_20, %broadcast_in_dim3A_21, %broadcast_in_dim3A_22 : vector<1x128xi1>, vector<1x128xf32>
    %broadcast_in_dim3A_23 = vector.broadcast %reduce_sum3A_10 : f32 to vector<1x128xf32>
    %select_n3A_24 = arith.select %eq3A_17, %broadcast_in_dim3A_23, %select_n3A : vector<1x128xi1>, vector<1x128xf32>
    %eq3A_25 = arith.constant 0 : i32
    %eq3A_26 = arith.cmpi eq, %arg0, %eq3A_25 : i32
    %convert_element_type3A = arith.extui %eq3A_26 : i1 to i32
    %cond3A = arith.constant 0 : i32
    %cond3A_27 = arith.cmpi ne, %convert_element_type3A, %cond3A : i32
    scf.if %cond3A_27 {
      %broadcast_in_dim3A_33 = arith.constant 0.000000e+00 : f32
      %broadcast_in_dim3A_34 = vector.broadcast %broadcast_in_dim3A_33 : f32 to vector<1x128xf32>
      %swap3A_35 = arith.constant 0 : index
      %swap3A_36 = arith.constant 0 : index
      %swap3A_37 = vector.load %arg3[%swap3A_35, %swap3A_36] : memref<1x128xf32, #tpu.memory_space<vmem>>, vector<1x128xf32>
      tpu.vector_store %arg3[%swap3A_35, %swap3A_36], %broadcast_in_dim3A_34 {strides = array<i32>} : memref<1x128xf32, #tpu.memory_space<vmem>>, vector<1x128xf32>,
    } else {
    }
    %get3A_28 = arith.constant 0 : index
    %get3A_29 = arith.constant 0 : index
    %get3A_30 = vector.load %arg3[%get3A_28, %get3A_29] : memref<1x128xf32, #tpu.memory_space<vmem>>, vector<1x128xf32>
    %add3A = arith.addf %get3A_30, %select_n3A_24 : vector<1x128xf32>
    %swap3A = arith.constant 0 : index
    %swap3A_31 = arith.constant 0 : index
    %swap3A_32 = vector.load %arg3[%swap3A, %swap3A_31] : memref<1x128xf32, #tpu.memory_space<vmem>>, vector<1x128xf32>
    tpu.vector_store %arg3[%swap3A, %swap3A_31], %add3A {strides = array<i32>} : memref<1x128xf32, #tpu.memory_space<vmem>>, vector<1x128xf32>,
    return
  }
  func.func @transform_0(%arg0: i32) -> (i32, i32, i32) {
    %c0_i32 = arith.constant 0 : i32
    %c0_i32_0 = arith.constant 0 : i32
    %c0_i32_1 = arith.constant 0 : i32
    return %arg0, %c0_i32, %c0_i32_0 : i32, i32, i32
  }
  func.func @transform_1(%arg0: i32) -> (i32, i32) {
    %c0_i32 = arith.constant 0 : i32
    %c0_i32_0 = arith.constant 0 : i32
    return %arg0, %c0_i32 : i32, i32
  }
  func.func @transform_2(%arg0: i32) -> (i32, i32) {
    %c0_i32 = arith.constant 0 : i32
    %c0_i32_0 = arith.constant 0 : i32
    %c0_i32_1 = arith.constant 0 : i32
    return %c0_i32, %c0_i32_0 : i32, i32
  }
}

module attributes {stable_mosaic.version = 14 : i64} {
  func.func @_finish_body(%arg0: i32, %arg1: memref<256x32x128xf32, #tpu.memory_space<vmem>>, %arg2: memref<256x128xf32, #tpu.memory_space<vmem>>, %arg3: memref<1x1xf32, #tpu.memory_space<vmem>>, %arg4: memref<256x32x128xf32, #tpu.memory_space<vmem>>, %arg5: memref<256x32x128xf32, #tpu.memory_space<vmem>>) attributes {dimension_semantics = [#tpu.dimension_semantics<parallel>], iteration_bounds = array<i64: 32>, scalar_prefetch = 0 : i64, scratch_operands = 0 : i64, tpu.core_type = #tpu.core_type<tc>, window_params = [{transform_indices = @transform_0, window_bounds = array<i64: 256, 32, 128>}, {transform_indices = @transform_1, window_bounds = array<i64: 256, 128>}, {pipeline_mode = #tpu.pipeline_mode<synchronous>, transform_indices = @transform_2, window_bounds = array<i64: 1, 1>}, {transform_indices = @transform_3, window_bounds = array<i64: 256, 32, 128>}, {transform_indices = @transform_4, window_bounds = array<i64: 256, 32, 128>}]} {
    %get3A = arith.constant 0 : index
    %get3A_0 = arith.constant 0 : index
    %get3A_1 = arith.constant 0 : index
    %get3A_2 = vector.load %arg1[%get3A, %get3A_0, %get3A_1] : memref<256x32x128xf32, #tpu.memory_space<vmem>>, vector<256x32x128xf32>
    %get3A_3 = arith.constant 0 : index
    %get3A_4 = arith.constant 0 : index
    %get3A_5 = vector.load %arg2[%get3A_3, %get3A_4] : memref<256x128xf32, #tpu.memory_space<vmem>>, vector<256x128xf32>
    %get3A_6 = arith.constant 0 : index
    %get3A_7 = arith.constant 0 : index
    %get3A_8 = vector.load %arg3[%get3A_6, %get3A_7] : memref<1x1xf32, #tpu.memory_space<vmem>>, vector<1x1xf32>
    %broadcast_in_dim3A = vector.shape_cast %get3A_8 : vector<1x1xf32> to vector<1x1x1xf32>
    %iota3A = tpu.iota {dimensions = array<i32: 2>} : vector<256x32x128xi32>
    %broadcast_in_dim3A_9 = vector.shape_cast %get3A_5 : vector<256x128xf32> to vector<256x1x128xf32>
    %ge3A = arith.constant 64 : i32
    %ge3A_10 = vector.broadcast %ge3A : i32 to vector<256x32x128xi32>
    %ge3A_11 = arith.cmpi sge, %iota3A, %ge3A_10 : vector<256x32x128xi32>
    %lt3A = arith.constant 67 : i32
    %lt3A_12 = vector.broadcast %lt3A : i32 to vector<256x32x128xi32>
    %lt3A_13 = arith.cmpi slt, %iota3A, %lt3A_12 : vector<256x32x128xi32>
    %and3A = arith.andi %ge3A_11, %lt3A_13 : vector<256x32x128xi1>
    %sub3A = vector.broadcast %broadcast_in_dim3A_9 : vector<256x1x128xf32> to vector<256x32x128xf32>
    %sub3A_14 = arith.subf %get3A_2, %sub3A : vector<256x32x128xf32>
    %mul3A = vector.broadcast %broadcast_in_dim3A : vector<1x1x1xf32> to vector<256x32x128xf32>
    %mul3A_15 = arith.mulf %sub3A_14, %mul3A : vector<256x32x128xf32>
    %jit3A = arith.constant 0.000000e+00 : f32
    %broadcast_in_dim3A_16 = vector.broadcast %jit3A : f32 to vector<256x32x128xf32>
    %select_n3A = arith.select %and3A, %mul3A_15, %broadcast_in_dim3A_16 : vector<256x32x128xi1>, vector<256x32x128xf32>
    %swap3A = arith.constant 0 : index
    %swap3A_17 = arith.constant 0 : index
    %swap3A_18 = arith.constant 0 : index
    %swap3A_19 = vector.load %arg4[%swap3A, %swap3A_17, %swap3A_18] : memref<256x32x128xf32, #tpu.memory_space<vmem>>, vector<256x32x128xf32>
    tpu.vector_store %arg4[%swap3A, %swap3A_17, %swap3A_18], %select_n3A {strides = array<i32>} : memref<256x32x128xf32, #tpu.memory_space<vmem>>, vector<256x32x128xf32>,
    %slice3A = vector.extract_strided_slice %get3A_5 {offsets = [0, 64], sizes = [256, 64], strides = [1, 1]} : vector<256x128xf32> to vector<256x64xf32>
    %slice3A_20 = vector.extract_strided_slice %get3A_5 {offsets = [0, 0], sizes = [256, 64], strides = [1, 1]} : vector<256x128xf32> to vector<256x64xf32>
    %concatenate3A = tpu.concatenate %slice3A, %slice3A_20 in 1 : vector<256x64xf32>, vector<256x64xf32> -> vector<256x128xf32>
    %lt3A_21 = arith.constant 64 : i32
    %lt3A_22 = vector.broadcast %lt3A_21 : i32 to vector<256x32x128xi32>
    %lt3A_23 = arith.cmpi slt, %iota3A, %lt3A_22 : vector<256x32x128xi32>
    %broadcast_in_dim3A_24 = vector.shape_cast %concatenate3A : vector<256x128xf32> to vector<256x1x128xf32>
    %broadcast_in_dim3A_25 = vector.shape_cast %broadcast_in_dim3A_24 : vector<256x1x128xf32> to vector<256x1x128xf32>
    %broadcast_in_dim3A_26 = vector.broadcast %broadcast_in_dim3A_25 : vector<256x1x128xf32> to vector<256x32x128xf32>
    %select_n3A_27 = arith.select %lt3A_23, %get3A_2, %broadcast_in_dim3A_26 : vector<256x32x128xi1>, vector<256x32x128xf32>
    %swap3A_28 = arith.constant 0 : index
    %swap3A_29 = arith.constant 0 : index
    %swap3A_30 = arith.constant 0 : index
    %swap3A_31 = vector.load %arg5[%swap3A_28, %swap3A_29, %swap3A_30] : memref<256x32x128xf32, #tpu.memory_space<vmem>>, vector<256x32x128xf32>
    tpu.vector_store %arg5[%swap3A_28, %swap3A_29, %swap3A_30], %select_n3A_27 {strides = array<i32>} : memref<256x32x128xf32, #tpu.memory_space<vmem>>, vector<256x32x128xf32>,
    return
  }
  func.func @transform_0(%arg0: i32) -> (i32, i32, i32) {
    %c0_i32 = arith.constant 0 : i32
    %c0_i32_0 = arith.constant 0 : i32
    %c0_i32_1 = arith.constant 0 : i32
    return %arg0, %c0_i32, %c0_i32_0 : i32, i32, i32
  }
  func.func @transform_1(%arg0: i32) -> (i32, i32) {
    %c0_i32 = arith.constant 0 : i32
    %c0_i32_0 = arith.constant 0 : i32
    return %arg0, %c0_i32 : i32, i32
  }
  func.func @transform_2(%arg0: i32) -> (i32, i32) {
    %c0_i32 = arith.constant 0 : i32
    %c0_i32_0 = arith.constant 0 : i32
    %c0_i32_1 = arith.constant 0 : i32
    return %c0_i32, %c0_i32_0 : i32, i32
  }
  func.func @transform_3(%arg0: i32) -> (i32, i32, i32) {
    %c0_i32 = arith.constant 0 : i32
    %c0_i32_0 = arith.constant 0 : i32
    %c0_i32_1 = arith.constant 0 : i32
    return %arg0, %c0_i32, %c0_i32_0 : i32, i32, i32
  }
  func.func @transform_4(%arg0: i32) -> (i32, i32, i32) {
    %c0_i32 = arith.constant 0 : i32
    %c0_i32_0 = arith.constant 0 : i32
    %c0_i32_1 = arith.constant 0 : i32
    return %arg0, %c0_i32, %c0_i32_0 : i32, i32, i32
  }
}

</mosaic_0001>

<sc_bundles>
// kernel: kernel.11.cloned.1.call-start
scs
__scs_entry_jumppad:
0x0: {  	(pc) =	sbr.rel $0x88, $3  }
0x1: {  	(tag) =	ssettag $0x0;
	lr =	simm.s32 $0x1  }
0x2: {  	[smem:$0x3F9F] =	sst lr;
	_ =	strace $0xD0000000  }
0x3: {  	_ = 	snop  }
0x4: {  	_ = 	snop  }
0x5: {  	_ = 	snop  }
0x6: {  	_ = 	snop  }
0x7: {  	_ = 	snop  }
__scs_overlays_trampoline_lowered:
0x8: {  	[smem:$0x3FAE] =	sst s0  }
0x9: {  	[smem:$0x3FAF] =	sst s1  }
0xa: {  	[smem:$0x3FB0] =	sst s2  }
0xb: {  	[smem:$0x3FB1] =	sst s3  }
0xc: {  	[smem:$0x3FB2] =	sst s4  }
0xd: {  	[smem:$0x3FB3] =	sst s5  }
0xe: {  	[smem:$0x3FB4] =	sst s6  }
0xf: {  	[smem:$0x3FB5] =	sst s7  }
0x10: {  	[smem:$0x3FB6] =	sst s8  }
0x11: {  	[smem:$0x3FB7] =	sst s9;
	s0 =	simm.s32 @!p0 $0x0  }
0x12: {  	s1 =	sld [smem:$0x3F9D];
	s0 =	simm.s32 @p0 $0x1  }
0x13: {  	[smem:$0x3FB8] =	sst s0;
	s0 =	simm.s32 @!p1 $0x0  }
0x14: {  	s2 =	sld [smem:$0x3F9C];
	s0 =	simm.s32 @p1 $0x1  }
0x15: {  	[smem:$0x3FB9] =	sst s0;
	s0 =	simm.s32 @!p2 $0x0  }
0x16: {  	s3 =	sld [smem:$0x3FDB];
	s0 =	simm.s32 @p2 $0x1  }
0x17: {  	s4 =	simm.s32 $0x1BF5;
	[smem:$0x3FBB] =	sst s0  }
0x18: {  	s0 =	sld [smem:$0x3F9E];
	_ =	swait.ge [sflag:s4], $0x0  }
0x19: {  	s7 =	sld [smem:$0x3F9F]  }
0x1a: {  	s8 =	sadd.s32 $0xFFFFE003, lr  }
0x1b: {  	s9 =	sadd.s32 $0xFFFFFEF7, lr;
	s5 =	simm.s32 $0xFFFFFFFF;
	p2 =	slt.u32 s8, $0xFFFFF086  }
0x1c: {  	p1 =	slt.u32 s9, $0xF7A;
	s5 =	simm.s32 @!p2 $0x0  }
0x1d: {  	s5 =	simm.s32 @p1 $0x1;
	p0 =	seq.s32 s7, s2  }
0x1e: {  	s7 =	smul.u32 @!p0 $0xF7A, s2;
	p2 =	seq.s32 @!p0 s5, $0x0  }
0x1f: {  	s9 =	smul.u32 $0xF7A, s1;
	s8 =	simm.s32 @!p0 $0x1BF5;
	p2 =	por !p2, p0  }
0x20: {  	[sflag:s8] =	ssyncset.s32 @!p0 $0xFFFFF086;
	s6 =	sadd.s32 @!p0 s3, s7;
	s7 =	simm.s32 @!p0 $0x108  }
0x21: {  	s3 =	sadd.s32 s3, s9;
	s6 =	sadd.s32 @!p0 $0x88, s6;
	s7 =	simm.s32 @p2 $0x1082  }
0x22: {  	[simem:s7], [sflag:s8] =	dma.local @!p0 [hbm:s6], $0xF7A  }
0x23: {  	s9 =	sor.u32 $0xD0000000, s2;
	s6 =	simm.s32 $0x108;
	_ =	swait.ge @!p0 [sflag:s8], $0x0  }
0x24: {  	s3 =	sadd.s32 $0x88, s3;
	s6 =	simm.s32 @!p1 $0x1082;
	[sflag:s4] =	ssyncset.s32 $0xFFFFF086  }
0x25: {  	[simem:s6], [sflag:s4] =	dma.local [hbm:s3], $0xF7A  }
0x26: {  	[smem:$0x3F9F] =	sst s1;
	(tag) =	ssettag s2;
	_ =	strace s9  }
0x27: {  	s1 =	sld [smem:$0x3FAF]  }
0x28: {  	s2 =	sld [smem:$0x3FB0]  }
0x29: {  	s4 =	sld [smem:$0x3FB2]  }
0x2a: {  	p0 =	seq.s32 s5, $0x0;
	s5 =	sld [smem:$0x3FB3]  }
0x2b: {  	s6 =	sld [smem:$0x3FB4]  }
0x2c: {  	s7 =	sld [smem:$0x3FB5]  }
0x2d: {  	s3 =	simm.s32 $0x108;
	s8 =	sld [smem:$0x3FB6]  }
0x2e: {  	s3 =	simm.s32 @!p0 $0x1082;
	s9 =	sld [smem:$0x3FB7]  }
0x2f: {  	lr =	sadd.s32 s0, s3;
	s0 =	sld [smem:$0x3FAE]  }
0x30: {  	s3 =	sld [smem:$0x3FB1]  }
0x31: {  	[smem:$0x3FBA] =	sst s10  }
0x32: {  	s10 =	sld [smem:$0x3FB8];
	_ =	sdelay $0x3  }
0x33: {  	p0 =	seq.s32 s10, $0x1;
	s10 =	sld [smem:$0x3FBA];
	_ =	sdelay $0x3  }
0x34: {  	[smem:$0x3FBA] =	sst s10  }
0x35: {  	s10 =	sld [smem:$0x3FB9];
	_ =	sdelay $0x3  }
0x36: {  	p1 =	seq.s32 s10, $0x1;
	s10 =	sld [smem:$0x3FBA];
	_ =	sdelay $0x3  }
0x37: {  	[smem:$0x3FBA] =	sst s10  }
0x38: {  	s10 =	sld [smem:$0x3FBB]  }
0x39: {  	_ = 	snop;
	(pc) =	sbr.ind lr, $3  }
0x3a: {  	_ = 	snop  }
0x3b: {  	_ = 	snop  }
0x3c: {  	p2 =	seq.s32 s10, $0x1;
	s10 =	sld [smem:$0x3FBA]  }
0x3d: {  	_ =	shalt  }
0x3e: {  	_ =	shalt  }
0x3f: {  	_ =	shalt  }
0x40: {  	_ =	shalt  }
0x41: {  	_ =	shalt  }
0x42: {  	_ =	shalt  }
0x43: {  	_ =	shalt  }
0x44: {  	_ =	shalt  }
0x45: {  	_ =	shalt  }
0x46: {  	_ =	shalt  }
0x47: {  	_ =	shalt  }
0x48: {  	_ =	shalt  }
0x49: {  	_ =	shalt  }
0x4a: {  	_ =	shalt  }
0x4b: {  	_ =	shalt  }
0x4c: {  	_ =	shalt  }
0x4d: {  	_ =	shalt  }
0x4e: {  	_ =	shalt  }
0x4f: {  	_ =	shalt  }
0x50: {  	_ =	shalt  }
0x51: {  	_ =	shalt  }
0x52: {  	_ =	shalt  }
0x53: {  	_ =	shalt  }
0x54: {  	_ =	shalt  }
0x55: {  	_ =	shalt  }
0x56: {  	_ =	shalt  }
0x57: {  	_ =	shalt  }
0x58: {  	_ =	shalt  }
0x59: {  	_ =	shalt  }
0x5a: {  	_ =	shalt  }
0x5b: {  	_ =	shalt  }
0x5c: {  	_ =	shalt  }
0x5d: {  	_ =	shalt  }
0x5e: {  	_ =	shalt  }
0x5f: {  	_ =	shalt  }
0x60: {  	_ =	shalt  }
0x61: {  	_ =	shalt  }
0x62: {  	_ =	shalt  }
0x63: {  	_ =	shalt  }
0x64: {  	_ =	shalt  }
0x65: {  	_ =	shalt  }
0x66: {  	_ =	shalt  }
0x67: {  	_ =	shalt  }
0x68: {  	_ =	shalt  }
0x69: {  	_ =	shalt  }
0x6a: {  	_ =	shalt  }
0x6b: {  	_ =	shalt  }
0x6c: {  	_ =	shalt  }
0x6d: {  	_ =	shalt  }
0x6e: {  	_ =	shalt  }
0x6f: {  	_ =	shalt  }
0x70: {  	_ =	shalt  }
0x71: {  	_ =	shalt  }
0x72: {  	_ =	shalt  }
0x73: {  	_ =	shalt  }
0x74: {  	_ =	shalt  }
0x75: {  	_ =	shalt  }
0x76: {  	_ =	shalt  }
0x77: {  	_ =	shalt  }
0x78: {  	_ =	shalt  }
0x79: {  	_ =	shalt  }
0x7a: {  	_ =	shalt  }
0x7b: {  	_ =	shalt  }
0x7c: {  	_ =	shalt  }
0x7d: {  	_ =	shalt  }
0x7e: {  	_ =	shalt  }
0x7f: {  	_ =	shalt  }
0x80: {  	_ =	shalt  }
0x81: {  	_ =	shalt  }
0x82: {  	_ =	shalt  }
0x83: {  	_ =	shalt  }
0x84: {  	_ =	shalt  }
0x85: {  	_ =	shalt  }
0x86: {  	_ =	shalt  }
0x87: {  	_ =	shalt  }
.Lfunc_end0:
.L_simem_size_0:
called_computation.1_lowered:
.L_overlay_start_0:
0x88: {  	s2 =	sld [smem:$0x3FD9]  }
0x89: {  	s3 =	sld [smem:$0x3FFE];
	_ =	sdelay $0x1  }
0x8a: {  	s1 =	srdreg.scid  }
0x8b: {  	s0 =	sand.u32 $0x1, s1  }
0x8c: {  	s14 =	sshll.u32 s0, $0xA;
	s2 =	sadd.s32 s3, s2  }
0x8d: {  	s2 =	sadd.s32 s2, s14  }
0x8e: {  	[smem:$0x3FC6] =	sst s2  }
0x8f: {  	_ = 	snop  }
0x90: {  	s2 =	sld [smem:$0x3FD0];
	_ =	sdelay $0x2  }
0x91: {  	s15 =	simm.s32 $0xA;
	s4 =	simm.s32 $0x10  }
0x92: {  	[smem:s4], [sflag:s15] =	dma.local [hbm:s2], $0x1  }
0x93: {  	_ =	swait.eq [sflag:s15], $0x1  }
0x94: {  	[sflag:s15] =	ssyncset.done $0x0  }
0x95: {  	s16 =	sld [smem:$0x12];
	[sflag:s15] =	ssyncadd.s32 $0xFFFFFFFF  }
0x96: {  	s17 =	sld [smem:$0x13];
	(tm) =	ssettm $0x1  }
0x97: {  	s18 =	sld [smem:$0x3FFB];
	_ =	sdelay $0x3  }
0x98: {  	_ =	strace s18  }
0x99: {  	s4 =	sld [smem:$0x3FFC];
	_ =	sdelay $0x3  }
0x9a: {  	_ =	strace s4  }
0x9b: {  	s4 =	sld [smem:$0x3FFD];
	_ =	sdelay $0x3  }
0x9c: {  	_ =	strace s4  }
0x9d: {  	_ =	strace $0x8FFFFFFF  }
0x9e: {  	s19 =	sld [smem:$0x3FDB];
	_ =	sdelay $0x1  }
0x9f: {  	s5 =	simm.s32 $_scs_section_size  }
0xa0: {  	s6 =	simm.s32 $_size__tile_overlayer_lowered;
	s7 =	simm.s32 $_tile_overlayer_lowered  }
0xa1: {  	s22 =	simm.s32 $0x1BFF;
	s21 =	sshll.u32 s7, $0x1;
	s4 =	sadd.s32 s5, s19  }
0xa2: {  	s8 =	simm.s32 $0x0;
	s20 =	sshll.u32 s6, $0x1;
	s6 =	sadd.s32 s21, s4  }
0xa3: {  	[timem:s8], [sflag:s22] =	dma.local [hbm:s6], s20  }
0xa4: {  	_ =	swait.ge [sflag:s22], s20  }
0xa5: {  	s5 =	ssub.s32 $0x0, s20;
	[sflag:s22] =	ssyncset.done $0x0  }
0xa6: {  	[sflag:s22] =	ssyncadd.s32 s5;
	_ =	sdelay $0x1  }
0xa7: {  	s23 =	simm.s32 $0x1B8B  }
0xa8: {  	_ =	swait.ge [sflag:s23], $0x1  }
0xa9: {  	[sflag:s23] =	ssyncset.done $0x0  }
0xaa: {  	s25 =	simm.s32 $0x1B8E;
	s24 =	sld [smem:$0x3FFE];
	[sflag:s23] =	ssyncadd.s32 $0xFFFFFFFF  }
0xab: {  	s26 =	simm.s32 $execute0_lowered;
	[smem:$0x3FD2] =	sst s25  }
0xac: {  	s6 =	sshll.u32 s26, $0x1;
	_ =	strace $0x80000050;
	[dreg:$0x1] =	wrdreg $0xFFFFFFFF  }
0xad: {  	s28 =	simm.s32 $_size_execute0_lowered;
	s4 =	sadd.s32 s4, s6;
	[dreg:$0x0] =	wrdreg $0x0  }
0xae: {  	s6 =	sshll.u32 s28, $0x1;
	[dreg:$0x2] =	wrdreg s4  }
0xaf: {  	[dreg:$0x3] =	wrdreg s6  }
0xb0: {  	[dreg:$0x4] =	wrdreg $0xC0  }
0xb1: {  	_ =	task [dreg:s8], $0x5FFFF  }
0xb2: {  	[dreg:$0x1] =	wrdreg $0xFFFFFFFF  }
0xb3: {  	[dreg:$0x0] =	wrdreg $0x60  }
0xb4: {  	[dreg:$0x2] =	wrdreg s17  }
0xb5: {  	[dreg:$0x3] =	wrdreg s16  }
0xb6: {  	[dreg:$0x4] =	wrdreg s24  }
0xb7: {  	[dreg:$0x5] =	wrdreg $0x9  }
0xb8: {  	_ =	task.clear_ibuf [dreg:s8], $0x6FFFF;
	_ =	strace $0x90000050  }
0xb9: {  	s29 =	simm.s32 $0x9;
	_ =	strace $0x80000059  }
0xba: {  	_ =	swait.ge [sflag:s29], $0x1  }
0xbb: {  	[sflag:s29] =	ssyncadd.s32 $0xFFFFFFFF  }
0xbc: {  	_ =	strace $0x90000059  }
0xbd: {  	_ =	sfence  }
0xbe: {  	s30 =	sld [smem:$0x0];
	_ =	sdelay $0x2  }
0xbf: {  	s31 =	sshll.u32 s1, $0xD;
	s1 =	sshrl.u32 s1, $0x2  }
0xc0: {  	s3 =	sand.u32 $0x4000, s31;
	s1 =	sadd.s32 s1, s30  }
0xc1: {  	s0 =	sor.u32 s3, s0;
	s1 =	sshll.u32 s1, $0x11  }
0xc2: {  	s0 =	sor.u32 s1, s0  }
0xc3: {  	s0 =	sadd.s32 $0x8F2B, s0  }
0xc4: {  	[sflag:s0] =	ssyncadd.remote.s32 $0x1  }
0xc5: {  	_ =	sfence.sel $0xFFFF  }
0xc6: {  	[dreg:$0x0] =	wrdreg $0xFFFFFFFF;
	(pc) =	sbr.abs _section_cstart, $3  }
0xc7: {  	[dreg:$0x1] =	wrdreg $0xFFFFFFFF  }
0xc8: {  	_ =	task.clear_ibuf [dreg:s8], $0x2FFFF;
	_ =	strace $0x9FFFFFFF  }
0xc9: {  	(tm) =	ssettm $0x7FFFFFFF  }
tec
execute0_lowered:
.L_overlay_start_1:
0x0: {  	(tag) =	ssettag $0x1  }
0x1: {  	s0 =	rddreg [dreg:$0x0]  }
0x2: {  	s1 =	rddreg [dreg:$0x1]  }
0x3: {  	s4 =	rddreg [dreg:$0x2];
	s2 =	simm.s32 $0x0  }
0x4: {  	s3 =	srdreg.scid;
	s8 =	simm.s32 $0x80;
	[dreg:$0x4] =	wrdreg s0  }
0x5: {  	s9 =	simm.s32 $0x4;
	s10 =	simm.s32 $0x0;
	s0 =	rddreg [dreg:$0x3]  }
0x6: {  	[smem:$0x7FF] =	sst s2;
	s5 =	sand.u32 $0x1, s3;
	s4 =	sadd.s32 $0x21200, s4  }
0x7: {  	s3 =	stileid.u32;
	_ =	strace $0x80000051;
	[dreg:$0x6] =	wrdreg s4  }
0x8: {  	s6 =	ssub.s32 $0x2, s5;
	s5 =	sshll.u32 s5, $0x4;
	[dreg:$0x5] =	wrdreg s8  }
0x9: {  	s8 =	simm.s32 $0x5;
	s7 =	sshrl.u32 s6, $0x1;
	s5 =	sor.u32 s3, s5  }
0xa: {  	s6 =	ssub.s32 s6, s7;
	s31 =	sshll.u32 s5, $0xA;
	s4 =	sshll.u32 s5, $0x6  }
0xb: {  	s7 =	simm.s32 $0x1;
	s5 =	sadd.s32 s1, s31;
	s6 =	smax.u32 s6, $0x1  }
.LBB2_1:
0xc: {  	_ =	strace $0x80000052;
	s11 =	simm.s32 $0x1;
	p0 =	por $0x0, $0x0  }
0xd: {  	[tilespmem:s2], [sflag:$0x1] =	stream.linear.gather [hbm4b:s5+s2], $0x80, $0x200038;
	[tilespmem:$0x8100] =	vst v63  }
0xe: {  	s11 =	simm.s32 @p0 $0x0  }
0xf: {  	p4 =	por $0x1, $0x1;
	s20 =	sand.u32 $0x1, s2;
	p1 =	sne.s32 s11, $0x0  }
0x10: {  	p2 =	por $0x1, $0x1;
	s18 =	simm.s32 $0x3E;
	p0 =	por !p4, !p1  }
0x11: {  	s16 =	simm.s32 $0x0;
	p5 =	por $0x0, $0x0;
	p0 =	por !p0, !p0  }
0x12: {  	s23 =	sadd.s32 $0x0, s4;
	s30 =	sadd.s32 $0x1, s20;
	s12 =	sadd.s32 @p0 s4, s11  }
0x13: {  	_ =	strace $0x90000052;
	s13 =	sand.u32 @p0 $0x1, s7;
	s12 =	sshll.u32 @p0 s12, $0x4  }
0x14: {  	_ =	strace @p0 $0x80000053;
	s15 =	simm.s32 @p0 $0x0;
	s12 =	sand.u32 @p0 $0x1FFFFFF0, s12  }
0x15: {  	s14 =	sshll.u32 @p0 s13, $0x7;
	s13 =	sadd.s32 @p0 $0x1, s13;
	s12 =	sadd.s32 @p0 s1, s12  }
0x16: {  	[tilespmem:s14], [sflag:s13] =	stream.linear.gather @p0 [hbm4b:s12+s15], $0x80, $0x200038;
	[tilespmem:$0x8100] =	vst v63  }
0x17: {  	p3 =	por p2, p2;
	s21 =	sshll.u32 s20, $0xE;
	_ =	strace @p0 $0x90000053  }
0x18: {  	s16 =	sand.u32 $0x80, s16;
	p2 =	por p5, p5;
	_ =	strace $0x80000054  }
0x19: {  	s17 =	sadd.s32 $0x1, s11;
	s22 =	sor.u32 $0x100, s21;
	_ =	swait.ge [sflag:s30], $0x80  }
0x1a: {  	s21 =	simm.s32 $0x1;
	p6 =	por p1, p1;
	[sflag:s30] =	ssyncset.done $0x0  }
0x1b: {  	p1 =	por p3, p3;
	p4 =	por $0x1, $0x1;
	[sflag:s30] =	ssyncadd.s32 $0xFFFFFF80  }
0x1c: {  	s12 =	simm.s32 $0x3F;
	s15 =	sand.u32 @!p3 $0x1, s2;
	_ =	strace $0x90000054  }
0x1d: {  	s13 =	simm.s32 $0x1;
	p3 =	seq.s32 s17, $0x40;
	_ =	strace $0x80000055  }
0x1e: {  	s13 =	simm.s32 @!p0 $0x0;
	s17 =	simm.s32 @p3 $0x0;
	s19 =	rddreg [dreg:$0x5]  }
0x1f: {  	p0 =	por $0x0, $0x0;
	s14 =	sadd.s32 $0x1, s13;
	s31 =	rddreg [dreg:$0x4]  }
0x20: {  	[tilespmem:s22], [sflag:$0x5] =	stream.indirect.gather [hbm4b:s31+s19], $0x80, s16, s19, $0x2000b8;
	[tilespmem:$0x8100] =	vst v63  }
0x21: {  	p3 =	sne.s32 s11, s17;
	s21 =	simm.s32 @!p0 $0x0;
	_ =	swait.ge [sflag:s8], $0x4000  }
0x22: {  	p5 =	por !p4, !p3;
	p4 =	por $0x0, $0x0;
	[sflag:s8] =	ssyncset.done $0x0  }
0x23: {  	s13 =	simm.s32 $0x0;
	p6 =	por p4, p6;
	[sflag:s8] =	ssyncadd.s32 $0xFFFFC000  }
0x24: {  	s16 =	simm.s32 $0x0;
	s19 =	simm.s32 $0x0;
	_ =	strace $0x90000055  }
.LBB2_2:
0x25: {  	_ =	strace @p6 $0x80000056;
	s13 =	sadd.s32 s21, s13;
	s21 =	smov.u32 s12  }
0x26: {  	s12 =	smov.u32 s18;
	s18 =	sadd.s32 $0xFFFFFFFF, s18;
	p0 =	por p3, p3  }
0x27: {  	s28 =	sshll.u32 @p6 s23, $0xB;
	s20 =	sadd.s32 @p6 $0x3, s20;
	s24 =	simm.s32 @!p0 $0x0  }
0x28: {  	s25 =	rddreg [dreg:$0x6];
	s28 =	sand.u32 @p6 $0x1FFFF800, s28;
	s24 =	simm.s32 @p0 $0x1  }
0x29: {  	s25 =	sadd.s32 @p6 s25, s28;
	s28 =	simm.s32 @p6 $0x0;
	p0 =	sne.s32 s18, $0x0  }
0x2a: {  	[hbm4b:s25+s28] =	stream.linear.scatter @p6 [tilespmem:s22], [sflag:s20], $0x4000, $0x200038;
	[tilespmem:$0x8100] =	vst v63  }
0x2b: {  	s20 =	sadd.s32 @!p1 $0x3, s15;
	s15 =	simm.s32 @!p0 $0x0  }
0x2c: {  	s26 =	simm.s32 $0x1;
	[smem:$0x7FC] =	sst s24;
	s15 =	simm.s32 @p0 $0x1  }
0x2d: {  	s26 =	simm.s32 @!p6 $0x0;
	_ =	strace @p6 $0x90000056;
	[smem:$0x7FD] =	sst s15  }
0x2e: {  	p5 =	por !p5, !p5;
	s19 =	sadd.s32 s26, s19;
	_ =	strace @!p1 $0x80000057  }
0x2f: {  	s24 =	sand.u32 @!p2 $0x1, s13;
	s22 =	sand.u32 @p5 $0x1, s14;
	_ =	swait.ge @!p1 [sflag:s20], $0x4000  }
0x30: {  	s15 =	smov.u32 s24;
	s24 =	sadd.s32 @p5 s4, s17;
	[sflag:s20] =	ssyncset.done @!p1 $0x0  }
0x31: {  	s25 =	sshll.u32 @p5 s22, $0x7;
	s24 =	sshll.u32 @p5 s24, $0x4;
	[sflag:s20] =	ssyncadd.s32 @!p1 $0xFFFFC000  }
0x32: {  	s20 =	sadd.s32 @p5 $0x1, s22;
	s22 =	sand.u32 @p5 $0x1FFFFFF0, s24;
	_ =	strace @!p1 $0x90000057  }
0x33: {  	s24 =	simm.s32 @p5 $0x0;
	s22 =	sadd.s32 @p5 s1, s22;
	_ =	strace @p5 $0x80000053  }
0x34: {  	[tilespmem:s25], [sflag:s20] =	stream.linear.gather @p5 [hbm4b:s22+s24], $0x80, $0x200038;
	[tilespmem:$0x8100] =	vst v63  }
0x35: {  	s16 =	sadd.s32 s26, s16;
	s26 =	sand.u32 $0x1, s19;
	_ =	strace @p5 $0x90000053  }
0x36: {  	s24 =	sadd.s32 $0x1, s26;
	_ =	strace $0x80000054  }
0x37: {  	_ =	swait.ge [sflag:s24], $0x80  }
0x38: {  	[sflag:s24] =	ssyncset.done $0x0  }
0x39: {  	s20 =	simm.s32 $0x1;
	[sflag:s24] =	ssyncadd.s32 $0xFFFFFF80  }
0x3a: {  	s20 =	simm.s32 @!p5 $0x0;
	_ =	strace $0x90000054  }
0x3b: {  	s14 =	sadd.s32 s20, s14;
	s20 =	sand.u32 $0x1, s16;
	_ =	strace $0x80000055  }
0x3c: {  	s29 =	sshll.u32 s19, $0x7;
	s25 =	sshll.u32 s20, $0xE;
	s26 =	rddreg [dreg:$0x5]  }
0x3d: {  	s29 =	sand.u32 $0x80, s29;
	s22 =	sor.u32 $0x100, s25;
	s30 =	rddreg [dreg:$0x4]  }
0x3e: {  	[tilespmem:s22], [sflag:$0x5] =	stream.indirect.gather [hbm4b:s30+s26], $0x80, s29, s26, $0x2000b8;
	[tilespmem:$0x8100] =	vst v63  }
0x3f: {  	_ =	swait.ge [sflag:s8], $0x4000  }
0x40: {  	s31 =	sadd.s32 $0x1, s17;
	[sflag:s8] =	ssyncset.done $0x0  }
0x41: {  	s23 =	sadd.s32 s4, s11;
	s11 =	smov.u32 s17;
	[sflag:s8] =	ssyncadd.s32 $0xFFFFC000  }
0x42: {  	p3 =	seq.s32 s31, $0x40;
	s17 =	smov.u32 s31;
	_ =	strace $0x90000055  }
0x43: {  	s17 =	simm.s32 @p3 $0x0;
	s31 =	sld [smem:$0x7FD]  }
0x44: {  	p6 =	sne.s32 s12, $0x1;
	p0 =	sne.s32 s21, $0x40;
	p3 =	sne.s32 s11, s17  }
0x45: {  	p5 =	por !p6, !p3;
	p6 =	seq.s32 s21, $0x1;
	s21 =	simm.s32 $0x1  }
0x46: {  	s21 =	simm.s32 @!p0 $0x0;
	p0 =	seq.s32 s31, $0x1  }
.Ltmp0:
0x47: {  	s30 =	sld [smem:$0x7FC];
	(pc) =	sbr.rel @p0 .LBB2_2-.Ltmp0, $4  }
0x48: {  	_ = 	snop  }
0x49: {  	p4 =	seq.s32 s12, $0x40  }
0x4a: {  	p1 =	por p2, p2;
	p2 =	por p4, p4;
	p4 =	seq.s32 s30, $0x1  }
0x4b: {  	p6 =	por p6, p4  }
0x4c: {  	_ =	strace @p6 $0x80000056;
	s23 =	sshll.u32 @p6 s23, $0xB  }
0x4d: {  	s18 =	rddreg [dreg:$0x6];
	s23 =	sand.u32 @p6 $0x1FFFF800, s23  }
0x4e: {  	s20 =	sadd.s32 @p6 $0x3, s20;
	s18 =	sadd.s32 @p6 s18, s23;
	s23 =	simm.s32 @p6 $0x0  }
0x4f: {  	[hbm4b:s18+s23] =	stream.linear.scatter @p6 [tilespmem:s22], [sflag:s20], $0x4000, $0x200038;
	[tilespmem:$0x8100] =	vst v63  }
0x50: {  	p0 =	por !p5, !p5;
	_ =	strace @p6 $0x90000056  }
0x51: {  	s15 =	sadd.s32 @!p1 $0x3, s15;
	s17 =	sadd.s32 @p0 s4, s17;
	_ =	strace @!p1 $0x80000057  }
0x52: {  	s14 =	sand.u32 @p0 $0x1, s14;
	s17 =	sshll.u32 @p0 s17, $0x4;
	_ =	swait.ge @!p1 [sflag:s15], $0x4000  }
0x53: {  	s18 =	simm.s32 $0x1;
	s20 =	sshll.u32 @p0 s14, $0x7;
	[sflag:s15] =	ssyncset.done @!p1 $0x0  }
0x54: {  	s14 =	sadd.s32 @p0 $0x1, s14;
	s18 =	simm.s32 @!p6 $0x0;
	[sflag:s15] =	ssyncadd.s32 @!p1 $0xFFFFC000  }
0x55: {  	s19 =	sadd.s32 s18, s19;
	s15 =	sand.u32 @p0 $0x1FFFFFF0, s17;
	_ =	strace @!p1 $0x90000057  }
0x56: {  	s17 =	simm.s32 @p0 $0x0;
	s15 =	sadd.s32 @p0 s1, s15;
	_ =	strace @p0 $0x80000053  }
0x57: {  	[tilespmem:s20], [sflag:s14] =	stream.linear.gather @p0 [hbm4b:s15+s17], $0x80, $0x200038;
	[tilespmem:$0x8100] =	vst v63  }
0x58: {  	s25 =	sand.u32 $0x1, s19;
	_ =	strace @p0 $0x90000053  }
0x59: {  	s14 =	sadd.s32 $0x1, s25;
	_ =	strace $0x80000054  }
0x5a: {  	_ =	swait.ge [sflag:s14], $0x80  }
0x5b: {  	[sflag:s14] =	ssyncset.done $0x0  }
0x5c: {  	[sflag:s14] =	ssyncadd.s32 $0xFFFFFF80  }
0x5d: {  	s26 =	sadd.s32 s18, s16;
	_ =	strace $0x90000054  }
0x5e: {  	s14 =	sand.u32 $0x1, s26;
	_ =	strace $0x80000055  }
0x5f: {  	s30 =	sshll.u32 s19, $0x7;
	s31 =	sshll.u32 s14, $0xE;
	s28 =	rddreg [dreg:$0x5]  }
0x60: {  	s17 =	sand.u32 $0x80, s30;
	s18 =	sor.u32 $0x100, s31;
	s29 =	rddreg [dreg:$0x4]  }
0x61: {  	[tilespmem:s18], [sflag:$0x5] =	stream.indirect.gather [hbm4b:s29+s28], $0x80, s17, s28, $0x2000b8;
	[tilespmem:$0x8100] =	vst v63  }
0x62: {  	_ =	swait.ge [sflag:s8], $0x4000  }
0x63: {  	[sflag:s8] =	ssyncset.done $0x0  }
0x64: {  	p5 =	por p3, p3;
	p6 =	seq.s32 s12, $0x1;
	[sflag:s8] =	ssyncadd.s32 $0xFFFFC000  }
0x65: {  	s11 =	sadd.s32 s4, s11;
	p0 =	por p6, p5;
	_ =	strace $0x90000055  }
0x66: {  	s11 =	sshll.u32 @p0 s11, $0xB;
	_ =	strace @p0 $0x80000056  }
0x67: {  	s13 =	sadd.s32 s21, s13;
	s11 =	sand.u32 @p0 $0x1FFFF800, s11;
	s12 =	rddreg [dreg:$0x6]  }
0x68: {  	s14 =	sadd.s32 @p0 $0x3, s14;
	s11 =	sadd.s32 @p0 s12, s11;
	s12 =	simm.s32 @p0 $0x0  }
0x69: {  	[hbm4b:s11+s12] =	stream.linear.scatter @p0 [tilespmem:s18], [sflag:s14], $0x4000, $0x200038;
	[tilespmem:$0x8100] =	vst v63  }
0x6a: {  	p1 =	por p2, p2;
	s11 =	sand.u32 @!p2 $0x1, s13;
	_ =	strace @p0 $0x90000056  }
0x6b: {  	s11 =	sadd.s32 @!p1 $0x3, s11;
	_ =	strace @!p1 $0x80000057  }
0x6c: {  	_ =	swait.ge @!p1 [sflag:s11], $0x4000  }
0x6d: {  	[sflag:s11] =	ssyncset.done @!p1 $0x0  }
0x6e: {  	s10 =	sadd.s32 $0x1, s10;
	[sflag:s11] =	ssyncadd.s32 @!p1 $0xFFFFC000  }
0x6f: {  	p0 =	sne.s32 s10, s6;
	_ =	strace @!p1 $0x90000057  }
.Ltmp1:
0x70: {  	_ =	strace $0x80000058;
	(pc) =	sbr.rel @p0 .LBB2_1-.Ltmp1, $4  }
0x71: {  	_ =	swait.ge [sflag:s9], $0x4000  }
0x72: {  	[sflag:s9] =	ssyncset.done $0x0  }
0x73: {  	[sflag:s9] =	ssyncadd.s32 $0xFFFFC000  }
0x74: {  	_ =	strace $0x90000058  }
0x75: {  	_ =	sfence.sel $0x180000  }
0x76: {  	[bflag:$0x0] =	sbarrier.arrive $0xFFFF  }
0x77: {  	p0 =	sne.s32 s3, $0x0;
	_ =	strace $0x90000051  }
0x78: {  	s0 =	sadd.s32 @!p0 $0x100000, s0;
	[bflag:$0x2] =	sbarrier.arrive $0xFFFF  }
0x79: {  	[sflag:s0] =	ssyncadd.tile.s32 @!p0 $0x1;
	_ =	shalt  }
.Lfunc_end2:
_tile_overlayer_lowered:
.L_overlay_start_2:
0x7a: {  	(tag) =	ssettag $0x2  }
0x7b: {  	s0 =	rddreg [dreg:$0x0];
	s2 =	stileid.u32  }
0x7c: {  	s1 =	rddreg [dreg:$0x1];
	p0 =	sne.s32 s2, $0x0  }
0x7d: {  	s3 =	rddreg [dreg:$0x2];
	[bflag:$0x3] =	sbarrier.arrive $0xFFFF;
	s2 =	simm.s32 @!p0 $0x1C01  }
0x7e: {  	[timem:s3], [sflag:s2] =	dma.local @!p0 [hbm:s0], s1  }
0x7f: {  	s0 =	simm.s32 @!p0 $0x1  }
0x80: {  	_ =	swait.ge @!p0 [sflag:s0], s1  }
0x81: {  	s1 =	ssub.s32 @!p0 $0x0, s1;
	[sflag:s0] =	ssyncset.done @!p0 $0x0  }
0x82: {  	[sflag:s0] =	ssyncadd.s32 @!p0 s1  }
0x83: {  	[bflag:$0x3] =	sbarrier.arrive $0xFFFF  }
0x84: {  	_ =	shalt  }

// kernel: kernel.8.cloned.1.call-start
scs
__scs_entry_jumppad:
0x0: {  	(pc) =	sbr.rel $0x88, $3  }
0x1: {  	(tag) =	ssettag $0x0;
	lr =	simm.s32 $0x1  }
0x2: {  	[smem:$0x3F9F] =	sst lr;
	_ =	strace $0xD0000000  }
0x3: {  	_ = 	snop  }
0x4: {  	_ = 	snop  }
0x5: {  	_ = 	snop  }
0x6: {  	_ = 	snop  }
0x7: {  	_ = 	snop  }
__scs_overlays_trampoline_lowered:
0x8: {  	[smem:$0x3FAE] =	sst s0  }
0x9: {  	[smem:$0x3FAF] =	sst s1  }
0xa: {  	[smem:$0x3FB0] =	sst s2  }
0xb: {  	[smem:$0x3FB1] =	sst s3  }
0xc: {  	[smem:$0x3FB2] =	sst s4  }
0xd: {  	[smem:$0x3FB3] =	sst s5  }
0xe: {  	[smem:$0x3FB4] =	sst s6  }
0xf: {  	[smem:$0x3FB5] =	sst s7  }
0x10: {  	[smem:$0x3FB6] =	sst s8  }
0x11: {  	[smem:$0x3FB7] =	sst s9;
	s0 =	simm.s32 @!p0 $0x0  }
0x12: {  	s1 =	sld [smem:$0x3F9D];
	s0 =	simm.s32 @p0 $0x1  }
0x13: {  	[smem:$0x3FB8] =	sst s0;
	s0 =	simm.s32 @!p1 $0x0  }
0x14: {  	s2 =	sld [smem:$0x3F9C];
	s0 =	simm.s32 @p1 $0x1  }
0x15: {  	[smem:$0x3FB9] =	sst s0;
	s0 =	simm.s32 @!p2 $0x0  }
0x16: {  	s3 =	sld [smem:$0x3FDB];
	s0 =	simm.s32 @p2 $0x1  }
0x17: {  	s4 =	simm.s32 $0x1BF5;
	[smem:$0x3FBB] =	sst s0  }
0x18: {  	s0 =	sld [smem:$0x3F9E];
	_ =	swait.ge [sflag:s4], $0x0  }
0x19: {  	s7 =	sld [smem:$0x3F9F]  }
0x1a: {  	s8 =	sadd.s32 $0xFFFFE003, lr  }
0x1b: {  	s9 =	sadd.s32 $0xFFFFFEF7, lr;
	s5 =	simm.s32 $0xFFFFFFFF;
	p2 =	slt.u32 s8, $0xFFFFF086  }
0x1c: {  	p1 =	slt.u32 s9, $0xF7A;
	s5 =	simm.s32 @!p2 $0x0  }
0x1d: {  	s5 =	simm.s32 @p1 $0x1;
	p0 =	seq.s32 s7, s2  }
0x1e: {  	s7 =	smul.u32 @!p0 $0xF7A, s2;
	p2 =	seq.s32 @!p0 s5, $0x0  }
0x1f: {  	s9 =	smul.u32 $0xF7A, s1;
	s8 =	simm.s32 @!p0 $0x1BF5;
	p2 =	por !p2, p0  }
0x20: {  	[sflag:s8] =	ssyncset.s32 @!p0 $0xFFFFF086;
	s6 =	sadd.s32 @!p0 s3, s7;
	s7 =	simm.s32 @!p0 $0x108  }
0x21: {  	s3 =	sadd.s32 s3, s9;
	s6 =	sadd.s32 @!p0 $0x88, s6;
	s7 =	simm.s32 @p2 $0x1082  }
0x22: {  	[simem:s7], [sflag:s8] =	dma.local @!p0 [hbm:s6], $0xF7A  }
0x23: {  	s9 =	sor.u32 $0xD0000000, s2;
	s6 =	simm.s32 $0x108;
	_ =	swait.ge @!p0 [sflag:s8], $0x0  }
0x24: {  	s3 =	sadd.s32 $0x88, s3;
	s6 =	simm.s32 @!p1 $0x1082;
	[sflag:s4] =	ssyncset.s32 $0xFFFFF086  }
0x25: {  	[simem:s6], [sflag:s4] =	dma.local [hbm:s3], $0xF7A  }
0x26: {  	[smem:$0x3F9F] =	sst s1;
	(tag) =	ssettag s2;
	_ =	strace s9  }
0x27: {  	s1 =	sld [smem:$0x3FAF]  }
0x28: {  	s2 =	sld [smem:$0x3FB0]  }
0x29: {  	s4 =	sld [smem:$0x3FB2]  }
0x2a: {  	p0 =	seq.s32 s5, $0x0;
	s5 =	sld [smem:$0x3FB3]  }
0x2b: {  	s6 =	sld [smem:$0x3FB4]  }
0x2c: {  	s7 =	sld [smem:$0x3FB5]  }
0x2d: {  	s3 =	simm.s32 $0x108;
	s8 =	sld [smem:$0x3FB6]  }
0x2e: {  	s3 =	simm.s32 @!p0 $0x1082;
	s9 =	sld [smem:$0x3FB7]  }
0x2f: {  	lr =	sadd.s32 s0, s3;
	s0 =	sld [smem:$0x3FAE]  }
0x30: {  	s3 =	sld [smem:$0x3FB1]  }
0x31: {  	[smem:$0x3FBA] =	sst s10  }
0x32: {  	s10 =	sld [smem:$0x3FB8];
	_ =	sdelay $0x3  }
0x33: {  	p0 =	seq.s32 s10, $0x1;
	s10 =	sld [smem:$0x3FBA];
	_ =	sdelay $0x3  }
0x34: {  	[smem:$0x3FBA] =	sst s10  }
0x35: {  	s10 =	sld [smem:$0x3FB9];
	_ =	sdelay $0x3  }
0x36: {  	p1 =	seq.s32 s10, $0x1;
	s10 =	sld [smem:$0x3FBA];
	_ =	sdelay $0x3  }
0x37: {  	[smem:$0x3FBA] =	sst s10  }
0x38: {  	s10 =	sld [smem:$0x3FBB]  }
0x39: {  	_ = 	snop;
	(pc) =	sbr.ind lr, $3  }
0x3a: {  	_ = 	snop  }
0x3b: {  	_ = 	snop  }
0x3c: {  	p2 =	seq.s32 s10, $0x1;
	s10 =	sld [smem:$0x3FBA]  }
0x3d: {  	_ =	shalt  }
0x3e: {  	_ =	shalt  }
0x3f: {  	_ =	shalt  }
0x40: {  	_ =	shalt  }
0x41: {  	_ =	shalt  }
0x42: {  	_ =	shalt  }
0x43: {  	_ =	shalt  }
0x44: {  	_ =	shalt  }
0x45: {  	_ =	shalt  }
0x46: {  	_ =	shalt  }
0x47: {  	_ =	shalt  }
0x48: {  	_ =	shalt  }
0x49: {  	_ =	shalt  }
0x4a: {  	_ =	shalt  }
0x4b: {  	_ =	shalt  }
0x4c: {  	_ =	shalt  }
0x4d: {  	_ =	shalt  }
0x4e: {  	_ =	shalt  }
0x4f: {  	_ =	shalt  }
0x50: {  	_ =	shalt  }
0x51: {  	_ =	shalt  }
0x52: {  	_ =	shalt  }
0x53: {  	_ =	shalt  }
0x54: {  	_ =	shalt  }
0x55: {  	_ =	shalt  }
0x56: {  	_ =	shalt  }
0x57: {  	_ =	shalt  }
0x58: {  	_ =	shalt  }
0x59: {  	_ =	shalt  }
0x5a: {  	_ =	shalt  }
0x5b: {  	_ =	shalt  }
0x5c: {  	_ =	shalt  }
0x5d: {  	_ =	shalt  }
0x5e: {  	_ =	shalt  }
0x5f: {  	_ =	shalt  }
0x60: {  	_ =	shalt  }
0x61: {  	_ =	shalt  }
0x62: {  	_ =	shalt  }
0x63: {  	_ =	shalt  }
0x64: {  	_ =	shalt  }
0x65: {  	_ =	shalt  }
0x66: {  	_ =	shalt  }
0x67: {  	_ =	shalt  }
0x68: {  	_ =	shalt  }
0x69: {  	_ =	shalt  }
0x6a: {  	_ =	shalt  }
0x6b: {  	_ =	shalt  }
0x6c: {  	_ =	shalt  }
0x6d: {  	_ =	shalt  }
0x6e: {  	_ =	shalt  }
0x6f: {  	_ =	shalt  }
0x70: {  	_ =	shalt  }
0x71: {  	_ =	shalt  }
0x72: {  	_ =	shalt  }
0x73: {  	_ =	shalt  }
0x74: {  	_ =	shalt  }
0x75: {  	_ =	shalt  }
0x76: {  	_ =	shalt  }
0x77: {  	_ =	shalt  }
0x78: {  	_ =	shalt  }
0x79: {  	_ =	shalt  }
0x7a: {  	_ =	shalt  }
0x7b: {  	_ =	shalt  }
0x7c: {  	_ =	shalt  }
0x7d: {  	_ =	shalt  }
0x7e: {  	_ =	shalt  }
0x7f: {  	_ =	shalt  }
0x80: {  	_ =	shalt  }
0x81: {  	_ =	shalt  }
0x82: {  	_ =	shalt  }
0x83: {  	_ =	shalt  }
0x84: {  	_ =	shalt  }
0x85: {  	_ =	shalt  }
0x86: {  	_ =	shalt  }
0x87: {  	_ =	shalt  }
.Lfunc_end0:
.L_simem_size_0:
called_computation_lowered:
.L_overlay_start_0:
0x88: {  	s2 =	sld [smem:$0x3FD9]  }
0x89: {  	s3 =	sld [smem:$0x3FFE];
	_ =	sdelay $0x1  }
0x8a: {  	s1 =	srdreg.scid  }
0x8b: {  	s0 =	sand.u32 $0x1, s1  }
0x8c: {  	s14 =	sshll.u32 s0, $0xA;
	s2 =	sadd.s32 s3, s2  }
0x8d: {  	s2 =	sadd.s32 s2, s14  }
0x8e: {  	[smem:$0x3FC6] =	sst s2  }
0x8f: {  	_ = 	snop  }
0x90: {  	s2 =	sld [smem:$0x3FD0];
	_ =	sdelay $0x2  }
0x91: {  	s15 =	simm.s32 $0xA;
	s4 =	simm.s32 $0x10  }
0x92: {  	[smem:s4], [sflag:s15] =	dma.local [hbm:s2], $0x1  }
0x93: {  	_ =	swait.eq [sflag:s15], $0x1  }
0x94: {  	[sflag:s15] =	ssyncset.done $0x0  }
0x95: {  	s16 =	sld [smem:$0x10];
	[sflag:s15] =	ssyncadd.s32 $0xFFFFFFFF  }
0x96: {  	s17 =	sld [smem:$0x13];
	(tm) =	ssettm $0x1  }
0x97: {  	s18 =	sld [smem:$0x3FFB];
	_ =	sdelay $0x3  }
0x98: {  	_ =	strace s18  }
0x99: {  	s4 =	sld [smem:$0x3FFC];
	_ =	sdelay $0x3  }
0x9a: {  	_ =	strace s4  }
0x9b: {  	s4 =	sld [smem:$0x3FFD];
	_ =	sdelay $0x3  }
0x9c: {  	_ =	strace s4  }
0x9d: {  	_ =	strace $0x8FFFFFFF  }
0x9e: {  	s19 =	sld [smem:$0x3FDB];
	_ =	sdelay $0x1  }
0x9f: {  	s5 =	simm.s32 $_scs_section_size  }
0xa0: {  	s6 =	simm.s32 $_size__tile_overlayer_lowered;
	s7 =	simm.s32 $_tile_overlayer_lowered  }
0xa1: {  	s22 =	simm.s32 $0x1BFF;
	s21 =	sshll.u32 s7, $0x1;
	s4 =	sadd.s32 s5, s19  }
0xa2: {  	s8 =	simm.s32 $0x0;
	s20 =	sshll.u32 s6, $0x1;
	s6 =	sadd.s32 s21, s4  }
0xa3: {  	[timem:s8], [sflag:s22] =	dma.local [hbm:s6], s20  }
0xa4: {  	_ =	swait.ge [sflag:s22], s20  }
0xa5: {  	s5 =	ssub.s32 $0x0, s20;
	[sflag:s22] =	ssyncset.done $0x0  }
0xa6: {  	[sflag:s22] =	ssyncadd.s32 s5;
	_ =	sdelay $0x1  }
0xa7: {  	s23 =	simm.s32 $0x1B8B  }
0xa8: {  	_ =	swait.ge [sflag:s23], $0x1  }
0xa9: {  	[sflag:s23] =	ssyncset.done $0x0  }
0xaa: {  	s25 =	simm.s32 $0x1B8E;
	s24 =	sld [smem:$0x3FFE];
	[sflag:s23] =	ssyncadd.s32 $0xFFFFFFFF  }
0xab: {  	s26 =	simm.s32 $execute0_lowered;
	[smem:$0x3FD2] =	sst s25  }
0xac: {  	s6 =	sshll.u32 s26, $0x1;
	_ =	strace $0x80000046;
	[dreg:$0x1] =	wrdreg $0xFFFFFFFF  }
0xad: {  	s28 =	simm.s32 $_size_execute0_lowered;
	s4 =	sadd.s32 s4, s6;
	[dreg:$0x0] =	wrdreg $0x0  }
0xae: {  	s6 =	sshll.u32 s28, $0x1;
	[dreg:$0x2] =	wrdreg s4  }
0xaf: {  	[dreg:$0x3] =	wrdreg s6  }
0xb0: {  	[dreg:$0x4] =	wrdreg $0xC0  }
0xb1: {  	_ =	task [dreg:s8], $0x5FFFF  }
0xb2: {  	[dreg:$0x1] =	wrdreg $0xFFFFFFFF  }
0xb3: {  	[dreg:$0x0] =	wrdreg $0x60  }
0xb4: {  	[dreg:$0x2] =	wrdreg s17  }
0xb5: {  	[dreg:$0x3] =	wrdreg s16  }
0xb6: {  	[dreg:$0x4] =	wrdreg s24  }
0xb7: {  	[dreg:$0x5] =	wrdreg $0x9  }
0xb8: {  	_ =	task.clear_ibuf [dreg:s8], $0x6FFFF;
	_ =	strace $0x90000046  }
0xb9: {  	s29 =	simm.s32 $0x9;
	_ =	strace $0x8000004F  }
0xba: {  	_ =	swait.ge [sflag:s29], $0x1  }
0xbb: {  	[sflag:s29] =	ssyncadd.s32 $0xFFFFFFFF  }
0xbc: {  	_ =	strace $0x9000004F  }
0xbd: {  	_ =	sfence  }
0xbe: {  	s30 =	sld [smem:$0x0];
	_ =	sdelay $0x2  }
0xbf: {  	s31 =	sshll.u32 s1, $0xD;
	s1 =	sshrl.u32 s1, $0x2  }
0xc0: {  	s3 =	sand.u32 $0x4000, s31;
	s1 =	sadd.s32 s1, s30  }
0xc1: {  	s0 =	sor.u32 s3, s0;
	s1 =	sshll.u32 s1, $0x11  }
0xc2: {  	s0 =	sor.u32 s1, s0  }
0xc3: {  	s0 =	sadd.s32 $0x8F2B, s0  }
0xc4: {  	[sflag:s0] =	ssyncadd.remote.s32 $0x1  }
0xc5: {  	_ =	sfence.sel $0xFFFF  }
0xc6: {  	[dreg:$0x0] =	wrdreg $0xFFFFFFFF;
	(pc) =	sbr.abs _section_cstart, $3  }
0xc7: {  	[dreg:$0x1] =	wrdreg $0xFFFFFFFF  }
0xc8: {  	_ =	task.clear_ibuf [dreg:s8], $0x2FFFF;
	_ =	strace $0x9FFFFFFF  }
0xc9: {  	(tm) =	ssettm $0x7FFFFFFF  }
tec
execute0_lowered:
.L_overlay_start_1:
0x0: {  	(tag) =	ssettag $0x1  }
0x1: {  	s1 =	rddreg [dreg:$0x0]  }
0x2: {  	s4 =	rddreg [dreg:$0x1];
	s2 =	srdreg.scid  }
0x3: {  	s10 =	rddreg [dreg:$0x2];
	s15 =	sand.u32 $0x1, s2  }
0x4: {  	s3 =	simm.s32 $0x0;
	s2 =	stileid.u32;
	s5 =	sshll.u32 s15, $0x4  }
0x5: {  	[smem:$0x7FF] =	sst s3;
	s11 =	sor.u32 s2, s5  }
0x6: {  	s0 =	rddreg [dreg:$0x3];
	_ =	strace $0x80000047;
	s5 =	sshll.u32 s11, $0x5  }
0x7: {  	_ =	strace $0x80000048;
	s4 =	sadd.s32 s4, s5  }
0x8: {  	[tilespmem:s3], [sflag:$0x1] =	stream.linear.gather [hbm4b:s4+s3], $0x80, $0x200038;
	[tilespmem:$0x8100] =	vst v63  }
0x9: {  	_ =	strace $0x90000048  }
0xa: {  	s6 =	simm.s32 $0x80;
	s5 =	sadd.s32 $0x10, s4;
	_ =	strace $0x80000049  }
0xb: {  	[tilespmem:s6], [sflag:$0x2] =	stream.linear.gather [hbm4b:s5+s3], $0x80, $0x200038;
	[tilespmem:$0x8100] =	vst v63  }
0xc: {  	_ =	strace $0x90000049  }
0xd: {  	s7 =	simm.s32 $0x1;
	_ =	strace $0x8000004A  }
0xe: {  	_ =	swait.ge [sflag:s7], $0x80  }
0xf: {  	[sflag:s7] =	ssyncset.done $0x0  }
0x10: {  	[sflag:s7] =	ssyncadd.s32 $0xFFFFFF80  }
0x11: {  	_ =	strace $0x9000004A  }
0x12: {  	s8 =	simm.s32 $0x100;
	s9 =	simm.s32 $0x5;
	_ =	strace $0x8000004B  }
0x13: {  	[tilespmem:s8], [sflag:$0x5] =	stream.indirect.gather [hbm4b:s1+s6], $0x80, s3, s6, $0x2000b8;
	[tilespmem:$0x8100] =	vst v63  }
0x14: {  	_ =	swait.ge [sflag:s9], $0x4000  }
0x15: {  	[sflag:s9] =	ssyncset.done $0x0  }
0x16: {  	s11 =	sshll.u32 s11, $0xC;
	[sflag:s9] =	ssyncadd.s32 $0xFFFFC000  }
0x17: {  	s13 =	sadd.s32 s11, s10;
	_ =	strace $0x9000004B  }
0x18: {  	s10 =	sadd.s32 $0x1200, s13;
	_ =	strace $0x8000004C  }
0x19: {  	[hbm4b:s10+s3] =	stream.linear.scatter [tilespmem:s8], [sflag:$0x3], $0x4000, $0x200038;
	[tilespmem:$0x8100] =	vst v63  }
0x1a: {  	_ =	strace $0x9000004C  }
0x1b: {  	s11 =	simm.s32 $0x2;
	_ =	strace $0x8000004A  }
0x1c: {  	_ =	swait.ge [sflag:s11], $0x80  }
0x1d: {  	[sflag:s11] =	ssyncset.done $0x0  }
0x1e: {  	[sflag:s11] =	ssyncadd.s32 $0xFFFFFF80  }
0x1f: {  	_ =	strace $0x9000004A  }
0x20: {  	s12 =	simm.s32 $0x4100;
	_ =	strace $0x8000004B  }
0x21: {  	[tilespmem:s12], [sflag:$0x5] =	stream.indirect.gather [hbm4b:s1+s6], $0x80, s6, s6, $0x2000b8;
	[tilespmem:$0x8100] =	vst v63  }
0x22: {  	_ =	swait.ge [sflag:s9], $0x4000  }
0x23: {  	[sflag:s9] =	ssyncset.done $0x0  }
0x24: {  	[sflag:s9] =	ssyncadd.s32 $0xFFFFC000  }
0x25: {  	_ =	strace $0x9000004B  }
0x26: {  	s13 =	sadd.s32 $0x1A00, s13;
	_ =	strace $0x8000004C  }
0x27: {  	[hbm4b:s13+s3] =	stream.linear.scatter [tilespmem:s12], [sflag:$0x4], $0x4000, $0x200038;
	[tilespmem:$0x8100] =	vst v63  }
0x28: {  	s15 =	ssub.s32 $0x2, s15;
	_ =	strace $0x9000004C  }
0x29: {  	s14 =	simm.s32 $0x3;
	s16 =	sshrl.u32 s15, $0x1;
	_ =	strace $0x8000004D  }
0x2a: {  	s16 =	ssub.s32 s15, s16;
	_ =	swait.ge [sflag:s14], $0x4000  }
0x2b: {  	s16 =	smax.u32 s16, $0x1;
	[sflag:s14] =	ssyncset.done $0x0  }
0x2c: {  	p0 =	sne.s32 s16, $0x1;
	[sflag:s14] =	ssyncadd.s32 $0xFFFFC000  }
.Ltmp0:
0x2d: {  	_ =	strace $0x9000004D;
	(pc) =	sbr.rel @!p0 .LBB2_2-.Ltmp0, $4  }
0x2e: {  	s15 =	simm.s32 $0x4;
	_ =	strace $0x8000004E  }
0x2f: {  	_ =	swait.ge [sflag:s15], $0x4000  }
0x30: {  	[sflag:s15] =	ssyncset.done $0x0  }
0x31: {  	s16 =	sadd.s32 $0xFFFFFFFF, s16;
	[sflag:s15] =	ssyncadd.s32 $0xFFFFC000  }
.LBB2_1:
0x32: {  	p0 =	sne.s32 s16, $0x1;
	s16 =	sadd.s32 $0xFFFFFFFF, s16;
	_ =	strace $0x9000004E  }
0x33: {  	_ =	strace $0x80000048  }
0x34: {  	[tilespmem:s3], [sflag:$0x1] =	stream.linear.gather [hbm4b:s4+s3], $0x80, $0x200038;
	[tilespmem:$0x8100] =	vst v63  }
0x35: {  	_ =	strace $0x90000048  }
0x36: {  	_ =	strace $0x80000049  }
0x37: {  	[tilespmem:s6], [sflag:$0x2] =	stream.linear.gather [hbm4b:s5+s3], $0x80, $0x200038;
	[tilespmem:$0x8100] =	vst v63  }
0x38: {  	_ =	strace $0x90000049  }
0x39: {  	_ =	strace $0x8000004A  }
0x3a: {  	_ =	swait.ge [sflag:s7], $0x80  }
0x3b: {  	[sflag:s7] =	ssyncset.done $0x0  }
0x3c: {  	[sflag:s7] =	ssyncadd.s32 $0xFFFFFF80  }
0x3d: {  	_ =	strace $0x9000004A  }
0x3e: {  	_ =	strace $0x8000004B  }
0x3f: {  	[tilespmem:s8], [sflag:$0x5] =	stream.indirect.gather [hbm4b:s1+s6], $0x80, s3, s6, $0x2000b8;
	[tilespmem:$0x8100] =	vst v63  }
0x40: {  	_ =	swait.ge [sflag:s9], $0x4000  }
0x41: {  	[sflag:s9] =	ssyncset.done $0x0  }
0x42: {  	[sflag:s9] =	ssyncadd.s32 $0xFFFFC000  }
0x43: {  	_ =	strace $0x9000004B  }
0x44: {  	_ =	strace $0x8000004C  }
0x45: {  	[hbm4b:s10+s3] =	stream.linear.scatter [tilespmem:s8], [sflag:$0x3], $0x4000, $0x200038;
	[tilespmem:$0x8100] =	vst v63  }
0x46: {  	_ =	strace $0x9000004C  }
0x47: {  	_ =	strace $0x8000004A  }
0x48: {  	_ =	swait.ge [sflag:s11], $0x80  }
0x49: {  	[sflag:s11] =	ssyncset.done $0x0  }
0x4a: {  	[sflag:s11] =	ssyncadd.s32 $0xFFFFFF80  }
0x4b: {  	_ =	strace $0x9000004A  }
0x4c: {  	_ =	strace $0x8000004B  }
0x4d: {  	[tilespmem:s12], [sflag:$0x5] =	stream.indirect.gather [hbm4b:s1+s6], $0x80, s6, s6, $0x2000b8;
	[tilespmem:$0x8100] =	vst v63  }
0x4e: {  	_ =	swait.ge [sflag:s9], $0x4000  }
0x4f: {  	[sflag:s9] =	ssyncset.done $0x0  }
0x50: {  	[sflag:s9] =	ssyncadd.s32 $0xFFFFC000  }
0x51: {  	_ =	strace $0x9000004B  }
0x52: {  	_ =	strace $0x8000004C  }
0x53: {  	[hbm4b:s13+s3] =	stream.linear.scatter [tilespmem:s12], [sflag:$0x4], $0x4000, $0x200038;
	[tilespmem:$0x8100] =	vst v63  }
0x54: {  	_ =	strace $0x9000004C  }
0x55: {  	_ =	strace $0x8000004D  }
0x56: {  	_ =	swait.ge [sflag:s14], $0x4000  }
0x57: {  	[sflag:s14] =	ssyncset.done $0x0  }
0x58: {  	[sflag:s14] =	ssyncadd.s32 $0xFFFFC000  }
.Ltmp1:
0x59: {  	_ =	strace $0x9000004D;
	(pc) =	sbr.rel @p0 .LBB2_1-.Ltmp1, $4  }
0x5a: {  	_ =	strace $0x8000004E  }
0x5b: {  	_ =	swait.ge [sflag:s15], $0x4000  }
0x5c: {  	[sflag:s15] =	ssyncset.done $0x0  }
0x5d: {  	[sflag:s15] =	ssyncadd.s32 $0xFFFFC000  }
.LBB2_2:
0x5e: {  	_ =	strace $0x9000004E  }
0x5f: {  	_ =	sfence.sel $0x180000  }
0x60: {  	[bflag:$0x0] =	sbarrier.arrive $0xFFFF  }
0x61: {  	p0 =	sne.s32 s2, $0x0;
	_ =	strace $0x90000047  }
0x62: {  	s0 =	sadd.s32 @!p0 $0x100000, s0;
	[bflag:$0x2] =	sbarrier.arrive $0xFFFF  }
0x63: {  	[sflag:s0] =	ssyncadd.tile.s32 @!p0 $0x1;
	_ =	shalt  }
.Lfunc_end2:
_tile_overlayer_lowered:
.L_overlay_start_2:
0x64: {  	(tag) =	ssettag $0x2  }
0x65: {  	s0 =	rddreg [dreg:$0x0];
	s2 =	stileid.u32  }
0x66: {  	s1 =	rddreg [dreg:$0x1];
	p0 =	sne.s32 s2, $0x0  }
0x67: {  	s3 =	rddreg [dreg:$0x2];
	[bflag:$0x3] =	sbarrier.arrive $0xFFFF;
	s2 =	simm.s32 @!p0 $0x1C01  }
0x68: {  	[timem:s3], [sflag:s2] =	dma.local @!p0 [hbm:s0], s1  }
0x69: {  	s0 =	simm.s32 @!p0 $0x1  }
0x6a: {  	_ =	swait.ge @!p0 [sflag:s0], s1  }
0x6b: {  	s1 =	ssub.s32 @!p0 $0x0, s1;
	[sflag:s0] =	ssyncset.done @!p0 $0x0  }
0x6c: {  	[sflag:s0] =	ssyncadd.s32 @!p0 s1  }
0x6d: {  	[bflag:$0x3] =	sbarrier.arrive $0xFFFF  }
0x6e: {  	_ =	shalt  }

</sc_bundles>
